<compile_context>
chip_gen: v7x
topology: tpu7x:2x2x1
jax: 0.10.2.dev20260603
libtpu: 0.0.44.dev20260713+nightly
codegen_flags: <defaults>
</compile_context>

<pallas_src>
import functools

import jax
import jax.numpy as jnp
from jax import lax
from jax.experimental import pallas as pl
from jax.experimental.pallas import tpu as pltpu
from jax.experimental.pallas import tpu_sc as plsc

N = 10000
N_PAD = 10240
E = 320000
NTILES = 32
EPT = E // NTILES
CH = 80
NCHUNK = EPT // CH
NGRP = 5
GW = NCHUNK // NGRP
RPT = N_PAD // 16

_mesh = plsc.VectorSubcoreMesh(core_axis_name="c", subcore_axis_name="s")



@functools.partial(
    pl.kernel,
    out_type=jax.ShapeDtypeStruct((2, 2, N_PAD, 128), jnp.float32),
    mesh=_mesh,
    scratch_types=[
        pltpu.VMEM((CH,), jnp.int32),
        pltpu.VMEM((CH,), jnp.int32),
        pltpu.VMEM((CH, 128), jnp.float32),
        pltpu.VMEM((CH, 128), jnp.float32),
        pltpu.VMEM_SHARED((N_PAD, 128), jnp.float32),
        pltpu.SemaphoreType.DMA,
        pltpu.SemaphoreType.DMA,
    ],
)
def _sc_degrees(src_hbm, dst_hbm, ones_hbm, zeros_hbm, out_hbm, widx0,
                widx1, ones_v, zero_v, acc, semA, semB):
    cid = lax.axis_index("c")
    sid = lax.axis_index("s")
    w = cid * 16 + sid

    pltpu.sync_copy(zeros_hbm, zero_v)
    pltpu.sync_copy(ones_hbm, ones_v)

    for kind, idx_hbm in ((0, src_hbm), (1, dst_hbm)):
        @pl.loop(0, RPT // CH)
        def _(j):
            pltpu.sync_copy(zero_v, acc.at[pl.ds(sid * RPT + j * CH, CH)])

        plsc.subcore_barrier()

        base0 = w * EPT
        pltpu.async_copy(idx_hbm.at[pl.ds(base0, CH)], widx0, semA)

        @pl.loop(0, NCHUNK - 1, step=2)
        def _(i):
            b1 = w * EPT + (i + 1) * CH
            pltpu.async_copy(idx_hbm.at[pl.ds(b1, CH)], widx1, semB)
            pltpu.make_async_copy(idx_hbm.at[pl.ds(b1, CH)], widx0,
                                  semA).wait()
            pltpu.sync_copy(ones_v, acc.at[widx0], add=True)
            b2 = w * EPT + (i + 2) * CH
            pltpu.async_copy(idx_hbm.at[pl.ds(b2, CH)], widx0, semA)
            pltpu.make_async_copy(idx_hbm.at[pl.ds(b2, CH)], widx1,
                                  semB).wait()
            pltpu.sync_copy(ones_v, acc.at[widx1], add=True)

        pltpu.make_async_copy(idx_hbm.at[pl.ds(base0, CH)], widx0,
                              semA).wait()
        pltpu.sync_copy(ones_v, acc.at[widx0], add=True)

        plsc.subcore_barrier()
        pltpu.sync_copy(acc.at[pl.ds(sid * RPT, RPT)],
                        out_hbm.at[cid, kind, pl.ds(sid * RPT, RPT)])


@functools.partial(
    pl.kernel,
    out_type=jax.ShapeDtypeStruct((2, N_PAD, 128), jnp.float32),
    mesh=_mesh,
    scratch_types=[
        pltpu.VMEM((CH,), jnp.int32),
        pltpu.VMEM((CH,), jnp.int32),
        pltpu.VMEM((CH,), jnp.int32),
        pltpu.VMEM((CH,), jnp.int32),
        pltpu.VMEM((CH, 128), jnp.float32),
        pltpu.VMEM((CH, 128), jnp.float32),
        pltpu.VMEM_SHARED((N_PAD, 128), jnp.float32),
        pltpu.SemaphoreType.DMA,
        pltpu.SemaphoreType.DMA,
        pltpu.SemaphoreType.DMA,
        pltpu.SemaphoreType.DMA,
    ],
)
def _sc_conv(h_hbm, src_hbm, dst_hbm, zeros_hbm, out_hbm, widx_s0, widx_d0,
             widx_s1, widx_d1, rows0, rows1, acc, sem0, sem1, semI0, semI1):
    cid = lax.axis_index("c")
    sid = lax.axis_index("s")
    w = cid * 16 + sid

    pltpu.sync_copy(zeros_hbm, rows0)

    @pl.loop(0, RPT // CH)
    def _(j):
        pltpu.sync_copy(rows0, acc.at[pl.ds(sid * RPT + j * CH, CH)])

    plsc.subcore_barrier()

    def _issue_idx(win, s_buf, d_buf, sem):
        b = w * EPT + win * CH
        pltpu.async_copy(src_hbm.at[pl.ds(b, CH)], s_buf, sem)
        pltpu.async_copy(dst_hbm.at[pl.ds(b, CH)], d_buf, sem)

    def _wait_idx(s_buf, d_buf, sem):
        b = w * EPT
        pltpu.make_async_copy(src_hbm.at[pl.ds(b, CH)], s_buf, sem).wait()
        pltpu.make_async_copy(dst_hbm.at[pl.ds(b, CH)], d_buf, sem).wait()

    _issue_idx(0, widx_s0, widx_d0, semI0)
    _issue_idx(1, widx_s1, widx_d1, semI1)
    _wait_idx(widx_s0, widx_d0, semI0)
    pltpu.async_copy(h_hbm.at[widx_s0], rows0, sem0)

    @pl.loop(0, NCHUNK - 1, step=2)
    def _(i):
        _wait_idx(widx_s1, widx_d1, semI1)
        pltpu.async_copy(h_hbm.at[widx_s1], rows1, sem1)
        pltpu.make_async_copy(h_hbm.at[widx_s0], rows0, sem0).wait()
        pltpu.sync_copy(rows0, acc.at[widx_d0], add=True)
        _issue_idx(i + 2, widx_s0, widx_d0, semI0)
        _wait_idx(widx_s0, widx_d0, semI0)
        pltpu.async_copy(h_hbm.at[widx_s0], rows0, sem0)
        pltpu.make_async_copy(h_hbm.at[widx_s1], rows1, sem1).wait()
        pltpu.sync_copy(rows1, acc.at[widx_d1], add=True)

        @pl.when(i + 3 < NCHUNK)
        def _():
            _issue_idx(i + 3, widx_s1, widx_d1, semI1)

    pltpu.make_async_copy(h_hbm.at[widx_s0], rows0, sem0).wait()
    pltpu.sync_copy(rows0, acc.at[widx_d0], add=True)

    plsc.subcore_barrier()
    pltpu.sync_copy(acc.at[pl.ds(sid * RPT, RPT)],
                    out_hbm.at[cid, pl.ds(sid * RPT, RPT)])



_BLK = 1000
_GRID = N // _BLK


def _tc_encoder(feat, emb_pad, w1, b1, w2, b2):
    def body(f_ref, emb_ref, w1_ref, b1_ref, w2_ref, b2_ref, o_ref):
        f2 = f_ref[...]
        iota = lax.broadcasted_iota(jnp.int32, (_BLK, 128), 1)
        onehot = (iota == f2).astype(jnp.float32)
        h = jnp.dot(onehot, emb_ref[...], preferred_element_type=jnp.float32)
        h = jnp.maximum(
            jnp.dot(h, w1_ref[...], preferred_element_type=jnp.float32)
            + b1_ref[...], 0.0)
        h = jnp.maximum(
            jnp.dot(h, w2_ref[...], preferred_element_type=jnp.float32)
            + b2_ref[...], 0.0)
        o_ref[...] = h

    return pl.pallas_call(
        body,
        grid=(_GRID,),
        in_specs=[
            pl.BlockSpec((_BLK, 1), lambda i: (i, 0)),
            pl.BlockSpec((128, 128), lambda i: (0, 0)),
            pl.BlockSpec((128, 128), lambda i: (0, 0)),
            pl.BlockSpec((1, 128), lambda i: (0, 0)),
            pl.BlockSpec((128, 128), lambda i: (0, 0)),
            pl.BlockSpec((1, 128), lambda i: (0, 0)),
        ],
        out_specs=pl.BlockSpec((_BLK, 128), lambda i: (i, 0)),
        out_shape=jax.ShapeDtypeStruct((N, 128), jnp.float32),
    )(feat, emb_pad, w1, b1, w2, b2)


def _tc_scale_prep(degs, h_enc):
    def body(d_ref, h_ref, s_ref, h0_ref):
        d_out = d_ref[0, 0, :, 0:1] + d_ref[1, 0, :, 0:1]
        d_in = d_ref[0, 1, :, 0:1] + d_ref[1, 1, :, 0:1]
        s_out = lax.rsqrt(jnp.maximum(d_out, 1.0))
        s_in = lax.rsqrt(jnp.maximum(d_in, 1.0))
        s_ref[:, 0:1] = s_out
        s_ref[:, 1:2] = s_in
        h0_ref[...] = h_ref[...] * s_out

    return pl.pallas_call(
        body,
        grid=(_GRID,),
        in_specs=[
            pl.BlockSpec((2, 2, _BLK, 128), lambda i: (0, 0, i, 0)),
            pl.BlockSpec((_BLK, 128), lambda i: (i, 0)),
        ],
        out_specs=[
            pl.BlockSpec((_BLK, 2), lambda i: (i, 0)),
            pl.BlockSpec((_BLK, 128), lambda i: (i, 0)),
        ],
        out_shape=[
            jax.ShapeDtypeStruct((N, 2), jnp.float32),
            jax.ShapeDtypeStruct((N, 128), jnp.float32),
        ],
    )(degs, h_enc)


def _tc_conv_finish(parts, scales, w, b):
    def body(p_ref, s_ref, w_ref, b_ref, ha_ref, han_ref):
        agg = (p_ref[0] + p_ref[1]) * s_ref[:, 1:2]
        ha = jnp.dot(agg, w_ref[...], preferred_element_type=jnp.float32) \
            + b_ref[...]
        ha_ref[...] = ha
        han_ref[...] = ha * s_ref[:, 0:1]

    return pl.pallas_call(
        body,
        grid=(_GRID,),
        in_specs=[
            pl.BlockSpec((2, _BLK, 128), lambda i: (0, i, 0)),
            pl.BlockSpec((_BLK, 2), lambda i: (i, 0)),
            pl.BlockSpec((128, 128), lambda i: (0, 0)),
            pl.BlockSpec((1, 128), lambda i: (0, 0)),
        ],
        out_specs=[
            pl.BlockSpec((_BLK, 128), lambda i: (i, 0)),
            pl.BlockSpec((_BLK, 128), lambda i: (i, 0)),
        ],
        out_shape=[
            jax.ShapeDtypeStruct((N, 128), jnp.float32),
            jax.ShapeDtypeStruct((N, 128), jnp.float32),
        ],
    )(parts, scales, w, b)


def _tc_final(parts, scales, gw, gb, dw1, db1, dw2, db2, dw3, db3):
    def body(p_ref, s_ref, gw_ref, gb_ref, dw1_ref, db1_ref, dw2_ref,
             db2_ref, dw3_ref, db3_ref, hb_ref, o_ref):
        agg = (p_ref[0] + p_ref[1]) * s_ref[:, 1:2]
        hb = jnp.dot(agg, gw_ref[...], preferred_element_type=jnp.float32) \
            + gb_ref[...]
        hb_ref[...] = hb
        h = jnp.maximum(
            jnp.dot(hb, dw1_ref[...], preferred_element_type=jnp.float32)
            + db1_ref[...], 0.0)
        h = jnp.maximum(
            jnp.dot(h, dw2_ref[...], preferred_element_type=jnp.float32)
            + db2_ref[...], 0.0)
        o_ref[...] = jnp.dot(h, dw3_ref[...],
                             preferred_element_type=jnp.float32) + db3_ref[...]

    wspec = pl.BlockSpec((128, 128), lambda i: (0, 0))
    bspec = pl.BlockSpec((1, 128), lambda i: (0, 0))
    return pl.pallas_call(
        body,
        grid=(_GRID,),
        in_specs=[
            pl.BlockSpec((2, _BLK, 128), lambda i: (0, i, 0)),
            pl.BlockSpec((_BLK, 2), lambda i: (i, 0)),
            wspec, bspec, wspec, bspec, wspec, bspec,
            pl.BlockSpec((128, 64), lambda i: (0, 0)),
            pl.BlockSpec((1, 64), lambda i: (0, 0)),
        ],
        out_specs=[
            pl.BlockSpec((_BLK, 128), lambda i: (i, 0)),
            pl.BlockSpec((_BLK, 64), lambda i: (i, 0)),
        ],
        out_shape=[
            jax.ShapeDtypeStruct((N, 128), jnp.float32),
            jax.ShapeDtypeStruct((N, 64), jnp.float32),
        ],
    )(parts, scales, gw, gb, dw1, db1, dw2, db2, dw3, db3)



def kernel(edge_index, feat, npos, emb_table, enc_W1, enc_b1, enc_W2, enc_b2,
           gcn_W0, gcn_b0, gcn_W1, gcn_b1, dec_W1, dec_b1, dec_W2, dec_b2,
           dec_W3, dec_b3):
    src2d = edge_index[0]
    dst2d = edge_index[1]
    emb_pad = jnp.pad(emb_table, ((0, 28), (0, 0)))

    ones_r = jnp.ones((CH, 128), jnp.float32)
    zeros_r = jnp.zeros((CH, 128), jnp.float32)
    degs = _sc_degrees(src2d, dst2d, ones_r, zeros_r)
    h_enc = _tc_encoder(feat, emb_pad, enc_W1, enc_b1.reshape(1, 128),
                        enc_W2, enc_b2.reshape(1, 128))
    scales, h0 = _tc_scale_prep(degs, h_enc)

    p0 = _sc_conv(h0, src2d, dst2d, zeros_r)
    ha, ha_n = _tc_conv_finish(p0, scales, gcn_W0, gcn_b0.reshape(1, 128))

    p1 = _sc_conv(ha_n, src2d, dst2d, zeros_r)
    hb, out = _tc_final(p1, scales, gcn_W1, gcn_b1.reshape(1, 128),
                        dec_W1, dec_b1.reshape(1, 128),
                        dec_W2, dec_b2.reshape(1, 128),
                        dec_W3, dec_b3.reshape(1, 64))

    return (ha, hb, out)

# --- scband reference (transcript-rebuilt; emitter-appended) ---
"""Pipeline reference for scband-gcn-20486994002068 (READ-ONLY COPY).

The authoritative reference and input builder live on the scoring server;
editing this copy changes nothing except your own understanding.
"""

import jax, jax.numpy as jnp
import numpy as np

N = 10000
E = 320000
EMB = 128
OUT = 64
NCATE = 100
NPOS = 3

def _init_linear(key, fan_in, fan_out):
    k1, k2 = jax.random.split(key)
    bound = 1.0 / float(np.sqrt(fan_in))
    W = jax.random.uniform(k1, (fan_in, fan_out), minval=-bound, maxval=bound, dtype=jnp.float32)
    b = jax.random.uniform(k2, (fan_out,), minval=-bound, maxval=bound, dtype=jnp.float32)
    return W, b

def setup_inputs(seed: int = 0):
    key = jax.random.key(seed)
    ks = jax.random.split(key, 12)
    inp = {}
    inp["edge_index"] = jax.random.randint(ks[0], (2, E), 0, N, dtype=jnp.int32)
    inp["feat"] = jax.random.randint(ks[1], (N, 1), 0, NCATE, dtype=jnp.int32)
    inp["npos"] = jax.random.normal(ks[2], (N, NPOS), dtype=jnp.float32)
    inp["emb_table"] = jax.random.normal(ks[3], (NCATE, EMB), dtype=jnp.float32)
    inp["enc_W1"], inp["enc_b1"] = _init_linear(ks[4], EMB, EMB)
    inp["enc_W2"], inp["enc_b2"] = _init_linear(ks[5], EMB, EMB)
    inp["gcn_W0"], inp["gcn_b0"] = _init_linear(ks[6], EMB, EMB)
    inp["gcn_W1"], inp["gcn_b1"] = _init_linear(ks[7], EMB, EMB)
    inp["dec_W1"], inp["dec_b1"] = _init_linear(ks[8], EMB, EMB)
    inp["dec_W2"], inp["dec_b2"] = _init_linear(ks[9], EMB, EMB)
    inp["dec_W3"], inp["dec_b3"] = _init_linear(ks[10], EMB, OUT)
    return inp

def _graph_conv(h, src, dst, W, b):
    # DGL GraphConv with norm='both': D_out^{-1/2} A^T D_in^{-1/2}, weight applied after aggregation (in_feats == out_feats)
    ones = jnp.ones((src.shape[0],), dtype=h.dtype)
    deg_out = jnp.maximum(jax.ops.segment_sum(ones, src, num_segments=N), 1.0)
    deg_in = jnp.maximum(jax.ops.segment_sum(ones, dst, num_segments=N), 1.0)
    h = h * (deg_out ** -0.5)[:, None]
    msg = jnp.take(h, src, axis=0)
    agg = jax.ops.segment_sum(msg, dst, num_segments=N)
    agg = agg * (deg_in ** -0.5)[:, None]
    return agg @ W + b

def reference(edge_index, feat, npos, emb_table, enc_W1, enc_b1, enc_W2, enc_b2, gcn_W0, gcn_b0, gcn_W1, gcn_b1, dec_W1, dec_b1, dec_W2, dec_b2, dec_W3, dec_b3):
    src = edge_index[0]
    dst = edge_index[1]
    f = feat[:, 0]
    h1 = jnp.take(emb_table, f, axis=0)
    h = jax.nn.relu(h1 @ enc_W1 + enc_b1)
    h = jax.nn.relu(h @ enc_W2 + enc_b2)
    ha = _graph_conv(h, src, dst, gcn_W0, gcn_b0)
    hb = _graph_conv(ha, src, dst, gcn_W1, gcn_b1)
    h = jax.nn.relu(hb @ dec_W1 + dec_b1)
    h = jax.nn.relu(h @ dec_W2 + dec_b2)
    h = h @ dec_W3 + dec_b3
    return (ha, hb, h)

if __name__ == "__main__":
    import jax
    _d = setup_inputs()
    print(jax.jit(kernel)(*tuple(_d.values())))

</pallas_src>

<mosaic_0001>
#map = affine_map<(d0, d1) -> (0, 0)>
#map1 = affine_map<(d0, d1) -> (0)>
#map2 = affine_map<(d0, d1) -> (0, 0, 0)>
module attributes {stable_mosaic.version = 14 : i64} {
  func.func @_sc_conv(%arg0: i32, %arg1: i32, %arg2: memref<10000x128xf32, #tpu.memory_space<hbm>>, %arg3: memref<320000xi32, #tpu.memory_space<hbm>>, %arg4: memref<320000xi32, #tpu.memory_space<hbm>>, %arg5: memref<80x128xf32, #tpu.memory_space<hbm>>, %arg6: memref<2x10240x128xf32, #tpu.memory_space<hbm>>, %arg7: memref<80xi32, #tpu.memory_space<vmem>>, %arg8: memref<80xi32, #tpu.memory_space<vmem>>, %arg9: memref<80xi32, #tpu.memory_space<vmem>>, %arg10: memref<80xi32, #tpu.memory_space<vmem>>, %arg11: memref<80x128xf32, #tpu.memory_space<vmem>>, %arg12: memref<80x128xf32, #tpu.memory_space<vmem>>, %arg13: memref<10240x128xf32, #tpu.memory_space<vmem_shared>>, %arg14: memref<!tpu.dma_semaphore, #tpu.memory_space<semaphore_mem>>, %arg15: memref<!tpu.dma_semaphore, #tpu.memory_space<semaphore_mem>>, %arg16: memref<!tpu.dma_semaphore, #tpu.memory_space<semaphore_mem>>, %arg17: memref<!tpu.dma_semaphore, #tpu.memory_space<semaphore_mem>>) attributes {dimension_semantics = [#tpu.dimension_semantics<core_parallel>, #tpu.dimension_semantics<subcore_parallel>], iteration_bounds = array<i64: 2, 16>, scalar_prefetch = 0 : i64, scratch_operands = 11 : i64, tpu.core_type = #tpu.core_type<sc_vector_subcore>, window_params = [{transform_indices = #map}, {transform_indices = #map1}, {transform_indices = #map1}, {transform_indices = #map}, {transform_indices = #map2}]} {
    %mul3A = arith.constant 16 : i32
    %mul3A_0 = arith.muli %arg0, %mul3A : i32
    %add3A = arith.addi %mul3A_0, %arg1 : i32
    "tpu.region"() ({
      %run_scoped3A = tpu.sem_alloc : memref<!tpu.dma_semaphore, #tpu.memory_space<semaphore_mem>>
      tpu.enqueue_dma source(%arg5 : memref<80x128xf32, #tpu.memory_space<hbm>>) target(%arg11 : memref<80x128xf32, #tpu.memory_space<vmem>>) target_semaphore(%run_scoped3A : memref<!tpu.dma_semaphore, #tpu.memory_space<semaphore_mem>>)
      tpu.wait_dma2 semaphore(%run_scoped3A : memref<!tpu.dma_semaphore, #tpu.memory_space<semaphore_mem>>) src(%arg5 : memref<80x128xf32, #tpu.memory_space<hbm>>) dst(%arg11 : memref<80x128xf32, #tpu.memory_space<vmem>>)
      tpu.yield
    }) : () -> ()
    %scan3A = arith.constant 0 : i32
    %scan3A_1 = arith.constant 8 : i32
    %scan3A_2 = arith.addi %scan3A, %scan3A_1 : i32
    %scan3A_3 = arith.constant 1 : i32
    scf.for %scan3A_41 = %scan3A to %scan3A_2 step %scan3A_3  : i32 {
      %mul3A_42 = arith.constant 1 : i32
      %mul3A_43 = arith.muli %scan3A_41, %mul3A_42 : i32
      %add3A_44 = arith.constant 0 : i32
      %add3A_45 = arith.addi %add3A_44, %mul3A_43 : i32
      %mul3A_46 = arith.constant 640 : i32
      %mul3A_47 = arith.muli %arg1, %mul3A_46 : i32
      %mul3A_48 = arith.constant 80 : i32
      %mul3A_49 = arith.muli %add3A_45, %mul3A_48 : i32
      %add3A_50 = arith.addi %mul3A_47, %mul3A_49 : i32
      "tpu.region"() ({
        %run_scoped3A = tpu.sem_alloc : memref<!tpu.dma_semaphore, #tpu.memory_space<semaphore_mem>>
        %dma_start3A_51 = arith.constant 0 : i32
        %dma_start3A_52 = tpu.memref_slice %arg13[%add3A_50, %dma_start3A_51] : memref<10240x128xf32, #tpu.memory_space<vmem_shared>> -> memref<80x128xf32, #tpu.memory_space<vmem_shared>>
        %dma_start3A_53 = arith.constant 0 : i32
        %dma_start3A_54 = tpu.memref_slice %arg13[%add3A_50, %dma_start3A_53] : memref<10240x128xf32, #tpu.memory_space<vmem_shared>> -> memref<80x128xf32, #tpu.memory_space<vmem_shared>>
        tpu.enqueue_dma source(%arg11 : memref<80x128xf32, #tpu.memory_space<vmem>>) target(%dma_start3A_54 : memref<80x128xf32, #tpu.memory_space<vmem_shared>>) target_semaphore(%run_scoped3A : memref<!tpu.dma_semaphore, #tpu.memory_space<semaphore_mem>>)
        %dma_wait3A_55 = arith.constant 0 : i32
        %dma_wait3A_56 = tpu.memref_slice %arg13[%add3A_50, %dma_wait3A_55] : memref<10240x128xf32, #tpu.memory_space<vmem_shared>> -> memref<80x128xf32, #tpu.memory_space<vmem_shared>>
        %dma_wait3A_57 = arith.constant 0 : i32
        %dma_wait3A_58 = tpu.memref_slice %arg13[%add3A_50, %dma_wait3A_57] : memref<10240x128xf32, #tpu.memory_space<vmem_shared>> -> memref<80x128xf32, #tpu.memory_space<vmem_shared>>
        tpu.wait_dma2 semaphore(%run_scoped3A : memref<!tpu.dma_semaphore, #tpu.memory_space<semaphore_mem>>) src(%arg11 : memref<80x128xf32, #tpu.memory_space<vmem>>) dst(%dma_wait3A_58 : memref<80x128xf32, #tpu.memory_space<vmem_shared>>)
        tpu.yield
      }) : () -> ()
    }
    %scan3A_4 = arith.constant 8 : i32
    %barrier3A = arith.constant 0 : index
    tpu.barrier barrier_id(%barrier3A)
    %mul3A_5 = arith.constant 10000 : i32
    %mul3A_6 = arith.muli %add3A, %mul3A_5 : i32
    %add3A_7 = arith.constant 0 : i32
    %add3A_8 = arith.addi %mul3A_6, %add3A_7 : i32
    %dma_start3A = tpu.memref_slice %arg3[%add3A_8] : memref<320000xi32, #tpu.memory_space<hbm>> -> memref<80xi32, #tpu.memory_space<hbm>>
    %dma_start3A_9 = tpu.memref_slice %arg3[%add3A_8] : memref<320000xi32, #tpu.memory_space<hbm>> -> memref<80xi32, #tpu.memory_space<hbm>>
    tpu.enqueue_dma source(%dma_start3A_9 : memref<80xi32, #tpu.memory_space<hbm>>) target(%arg7 : memref<80xi32, #tpu.memory_space<vmem>>) target_semaphore(%arg16 : memref<!tpu.dma_semaphore, #tpu.memory_space<semaphore_mem>>)
    %dma_start3A_10 = tpu.memref_slice %arg4[%add3A_8] : memref<320000xi32, #tpu.memory_space<hbm>> -> memref<80xi32, #tpu.memory_space<hbm>>
    %dma_start3A_11 = tpu.memref_slice %arg4[%add3A_8] : memref<320000xi32, #tpu.memory_space<hbm>> -> memref<80xi32, #tpu.memory_space<hbm>>
    tpu.enqueue_dma source(%dma_start3A_11 : memref<80xi32, #tpu.memory_space<hbm>>) target(%arg8 : memref<80xi32, #tpu.memory_space<vmem>>) target_semaphore(%arg16 : memref<!tpu.dma_semaphore, #tpu.memory_space<semaphore_mem>>)
    %mul3A_12 = arith.constant 10000 : i32
    %mul3A_13 = arith.muli %add3A, %mul3A_12 : i32
    %add3A_14 = arith.constant 80 : i32
    %add3A_15 = arith.addi %mul3A_13, %add3A_14 : i32
    %dma_start3A_16 = tpu.memref_slice %arg3[%add3A_15] : memref<320000xi32, #tpu.memory_space<hbm>> -> memref<80xi32, #tpu.memory_space<hbm>>
    %dma_start3A_17 = tpu.memref_slice %arg3[%add3A_15] : memref<320000xi32, #tpu.memory_space<hbm>> -> memref<80xi32, #tpu.memory_space<hbm>>
    tpu.enqueue_dma source(%dma_start3A_17 : memref<80xi32, #tpu.memory_space<hbm>>) target(%arg9 : memref<80xi32, #tpu.memory_space<vmem>>) target_semaphore(%arg17 : memref<!tpu.dma_semaphore, #tpu.memory_space<semaphore_mem>>)
    %dma_start3A_18 = tpu.memref_slice %arg4[%add3A_15] : memref<320000xi32, #tpu.memory_space<hbm>> -> memref<80xi32, #tpu.memory_space<hbm>>
    %dma_start3A_19 = tpu.memref_slice %arg4[%add3A_15] : memref<320000xi32, #tpu.memory_space<hbm>> -> memref<80xi32, #tpu.memory_space<hbm>>
    tpu.enqueue_dma source(%dma_start3A_19 : memref<80xi32, #tpu.memory_space<hbm>>) target(%arg10 : memref<80xi32, #tpu.memory_space<vmem>>) target_semaphore(%arg17 : memref<!tpu.dma_semaphore, #tpu.memory_space<semaphore_mem>>)
    %mul3A_20 = arith.constant 10000 : i32
    %mul3A_21 = arith.muli %add3A, %mul3A_20 : i32
    %dma_wait3A = tpu.memref_slice %arg3[%mul3A_21] : memref<320000xi32, #tpu.memory_space<hbm>> -> memref<80xi32, #tpu.memory_space<hbm>>
    %dma_wait3A_22 = tpu.memref_slice %arg3[%mul3A_21] : memref<320000xi32, #tpu.memory_space<hbm>> -> memref<80xi32, #tpu.memory_space<hbm>>
    tpu.wait_dma2 semaphore(%arg16 : memref<!tpu.dma_semaphore, #tpu.memory_space<semaphore_mem>>) src(%dma_wait3A_22 : memref<80xi32, #tpu.memory_space<hbm>>) dst(%arg7 : memref<80xi32, #tpu.memory_space<vmem>>)
    %dma_wait3A_23 = tpu.memref_slice %arg4[%mul3A_21] : memref<320000xi32, #tpu.memory_space<hbm>> -> memref<80xi32, #tpu.memory_space<hbm>>
    %dma_wait3A_24 = tpu.memref_slice %arg4[%mul3A_21] : memref<320000xi32, #tpu.memory_space<hbm>> -> memref<80xi32, #tpu.memory_space<hbm>>
    tpu.wait_dma2 semaphore(%arg16 : memref<!tpu.dma_semaphore, #tpu.memory_space<semaphore_mem>>) src(%dma_wait3A_24 : memref<80xi32, #tpu.memory_space<hbm>>) dst(%arg8 : memref<80xi32, #tpu.memory_space<vmem>>)
    %dma_start3A_25 = arith.constant 0 : i32
    %dma_start3A_26 = arith.constant 0 : i32
    %dma_start3A_27 = tpu.memref_slice %arg2[%dma_start3A_25, %dma_start3A_26] : memref<10000x128xf32, #tpu.memory_space<hbm>> -> memref<10000x128xf32, #tpu.memory_space<hbm>>
    tpu.enqueue_indirect_dma source(%dma_start3A_27 : memref<10000x128xf32, #tpu.memory_space<hbm>>) target(%arg11 : memref<80x128xf32, #tpu.memory_space<vmem>>) offsets(%arg7 : memref<80xi32, #tpu.memory_space<vmem>>) semaphore(%arg14 : memref<!tpu.dma_semaphore, #tpu.memory_space<semaphore_mem>>)
    %scan3A_28 = arith.constant 0 : i32
    %scan3A_29 = arith.constant 62 : i32
    %scan3A_30 = arith.addi %scan3A_28, %scan3A_29 : i32
    %scan3A_31 = arith.constant 1 : i32
    scf.for %scan3A_41 = %scan3A_28 to %scan3A_30 step %scan3A_31  : i32 {
      %mul3A_42 = arith.constant 2 : i32
      %mul3A_43 = arith.muli %scan3A_41, %mul3A_42 : i32
      %add3A_44 = arith.constant 0 : i32
      %add3A_45 = arith.addi %add3A_44, %mul3A_43 : i32
      %mul3A_46 = arith.constant 10000 : i32
      %mul3A_47 = arith.muli %add3A, %mul3A_46 : i32
      %dma_wait3A_48 = tpu.memref_slice %arg3[%mul3A_47] : memref<320000xi32, #tpu.memory_space<hbm>> -> memref<80xi32, #tpu.memory_space<hbm>>
      %dma_wait3A_49 = tpu.memref_slice %arg3[%mul3A_47] : memref<320000xi32, #tpu.memory_space<hbm>> -> memref<80xi32, #tpu.memory_space<hbm>>
      tpu.wait_dma2 semaphore(%arg17 : memref<!tpu.dma_semaphore, #tpu.memory_space<semaphore_mem>>) src(%dma_wait3A_49 : memref<80xi32, #tpu.memory_space<hbm>>) dst(%arg9 : memref<80xi32, #tpu.memory_space<vmem>>)
      %dma_wait3A_50 = tpu.memref_slice %arg4[%mul3A_47] : memref<320000xi32, #tpu.memory_space<hbm>> -> memref<80xi32, #tpu.memory_space<hbm>>
      %dma_wait3A_51 = tpu.memref_slice %arg4[%mul3A_47] : memref<320000xi32, #tpu.memory_space<hbm>> -> memref<80xi32, #tpu.memory_space<hbm>>
      tpu.wait_dma2 semaphore(%arg17 : memref<!tpu.dma_semaphore, #tpu.memory_space<semaphore_mem>>) src(%dma_wait3A_51 : memref<80xi32, #tpu.memory_space<hbm>>) dst(%arg10 : memref<80xi32, #tpu.memory_space<vmem>>)
      %dma_start3A_52 = arith.constant 0 : i32
      %dma_start3A_53 = arith.constant 0 : i32
      %dma_start3A_54 = tpu.memref_slice %arg2[%dma_start3A_52, %dma_start3A_53] : memref<10000x128xf32, #tpu.memory_space<hbm>> -> memref<10000x128xf32, #tpu.memory_space<hbm>>
      tpu.enqueue_indirect_dma source(%dma_start3A_54 : memref<10000x128xf32, #tpu.memory_space<hbm>>) target(%arg12 : memref<80x128xf32, #tpu.memory_space<vmem>>) offsets(%arg9 : memref<80xi32, #tpu.memory_space<vmem>>) semaphore(%arg15 : memref<!tpu.dma_semaphore, #tpu.memory_space<semaphore_mem>>)
      %dma_wait3A_55 = arith.constant 0 : i32
      %dma_wait3A_56 = arith.constant 0 : i32
      %dma_wait3A_57 = tpu.memref_slice %arg2[%dma_wait3A_55, %dma_wait3A_56] : memref<10000x128xf32, #tpu.memory_space<hbm>> -> memref<10000x128xf32, #tpu.memory_space<hbm>>
      tpu.wait_indirect_dma semaphore(%arg14 : memref<!tpu.dma_semaphore, #tpu.memory_space<semaphore_mem>>) src(%dma_wait3A_57 : memref<10000x128xf32, #tpu.memory_space<hbm>>) dst(%arg11 : memref<80x128xf32, #tpu.memory_space<vmem>>)
      "tpu.region"() ({
        %run_scoped3A = tpu.sem_alloc : memref<!tpu.dma_semaphore, #tpu.memory_space<semaphore_mem>>
        %dma_start3A_85 = arith.constant 0 : i32
        %dma_start3A_86 = arith.constant 0 : i32
        %dma_start3A_87 = tpu.memref_slice %arg13[%dma_start3A_85, %dma_start3A_86] : memref<10240x128xf32, #tpu.memory_space<vmem_shared>> -> memref<10240x128xf32, #tpu.memory_space<vmem_shared>>
        tpu.enqueue_indirect_dma source(%arg11 : memref<80x128xf32, #tpu.memory_space<vmem>>) target(%dma_start3A_87 : memref<10240x128xf32, #tpu.memory_space<vmem_shared>>) offsets(%arg8 : memref<80xi32, #tpu.memory_space<vmem>>) semaphore(%run_scoped3A : memref<!tpu.dma_semaphore, #tpu.memory_space<semaphore_mem>>) {add = true}
        %dma_wait3A_88 = arith.constant 0 : i32
        %dma_wait3A_89 = arith.constant 0 : i32
        %dma_wait3A_90 = tpu.memref_slice %arg13[%dma_wait3A_88, %dma_wait3A_89] : memref<10240x128xf32, #tpu.memory_space<vmem_shared>> -> memref<10240x128xf32, #tpu.memory_space<vmem_shared>>
        tpu.wait_indirect_dma semaphore(%run_scoped3A : memref<!tpu.dma_semaphore, #tpu.memory_space<semaphore_mem>>) src(%arg11 : memref<80x128xf32, #tpu.memory_space<vmem>>) dst(%dma_wait3A_90 : memref<10240x128xf32, #tpu.memory_space<vmem_shared>>)
        tpu.yield
      }) : () -> ()
      %add3A_58 = arith.constant 2 : i32
      %add3A_59 = arith.addi %add3A_45, %add3A_58 : i32
      %mul3A_60 = arith.constant 10000 : i32
      %mul3A_61 = arith.muli %add3A, %mul3A_60 : i32
      %mul3A_62 = arith.constant 80 : i32
      %mul3A_63 = arith.muli %add3A_59, %mul3A_62 : i32
      %add3A_64 = arith.addi %mul3A_61, %mul3A_63 : i32
      %dma_start3A_65 = tpu.memref_slice %arg3[%add3A_64] : memref<320000xi32, #tpu.memory_space<hbm>> -> memref<80xi32, #tpu.memory_space<hbm>>
      %dma_start3A_66 = tpu.memref_slice %arg3[%add3A_64] : memref<320000xi32, #tpu.memory_space<hbm>> -> memref<80xi32, #tpu.memory_space<hbm>>
      tpu.enqueue_dma source(%dma_start3A_66 : memref<80xi32, #tpu.memory_space<hbm>>) target(%arg7 : memref<80xi32, #tpu.memory_space<vmem>>) target_semaphore(%arg16 : memref<!tpu.dma_semaphore, #tpu.memory_space<semaphore_mem>>)
      %dma_start3A_67 = tpu.memref_slice %arg4[%add3A_64] : memref<320000xi32, #tpu.memory_space<hbm>> -> memref<80xi32, #tpu.memory_space<hbm>>
      %dma_start3A_68 = tpu.memref_slice %arg4[%add3A_64] : memref<320000xi32, #tpu.memory_space<hbm>> -> memref<80xi32, #tpu.memory_space<hbm>>
      tpu.enqueue_dma source(%dma_start3A_68 : memref<80xi32, #tpu.memory_space<hbm>>) target(%arg8 : memref<80xi32, #tpu.memory_space<vmem>>) target_semaphore(%arg16 : memref<!tpu.dma_semaphore, #tpu.memory_space<semaphore_mem>>)
      %mul3A_69 = arith.constant 10000 : i32
      %mul3A_70 = arith.muli %add3A, %mul3A_69 : i32
      %dma_wait3A_71 = tpu.memref_slice %arg3[%mul3A_70] : memref<320000xi32, #tpu.memory_space<hbm>> -> memref<80xi32, #tpu.memory_space<hbm>>
      %dma_wait3A_72 = tpu.memref_slice %arg3[%mul3A_70] : memref<320000xi32, #tpu.memory_space<hbm>> -> memref<80xi32, #tpu.memory_space<hbm>>
      tpu.wait_dma2 semaphore(%arg16 : memref<!tpu.dma_semaphore, #tpu.memory_space<semaphore_mem>>) src(%dma_wait3A_72 : memref<80xi32, #tpu.memory_space<hbm>>) dst(%arg7 : memref<80xi32, #tpu.memory_space<vmem>>)
      %dma_wait3A_73 = tpu.memref_slice %arg4[%mul3A_70] : memref<320000xi32, #tpu.memory_space<hbm>> -> memref<80xi32, #tpu.memory_space<hbm>>
      %dma_wait3A_74 = tpu.memref_slice %arg4[%mul3A_70] : memref<320000xi32, #tpu.memory_space<hbm>> -> memref<80xi32, #tpu.memory_space<hbm>>
      tpu.wait_dma2 semaphore(%arg16 : memref<!tpu.dma_semaphore, #tpu.memory_space<semaphore_mem>>) src(%dma_wait3A_74 : memref<80xi32, #tpu.memory_space<hbm>>) dst(%arg8 : memref<80xi32, #tpu.memory_space<vmem>>)
      %dma_start3A_75 = arith.constant 0 : i32
      %dma_start3A_76 = arith.constant 0 : i32
      %dma_start3A_77 = tpu.memref_slice %arg2[%dma_start3A_75, %dma_start3A_76] : memref<10000x128xf32, #tpu.memory_space<hbm>> -> memref<10000x128xf32, #tpu.memory_space<hbm>>
      tpu.enqueue_indirect_dma source(%dma_start3A_77 : memref<10000x128xf32, #tpu.memory_space<hbm>>) target(%arg11 : memref<80x128xf32, #tpu.memory_space<vmem>>) offsets(%arg7 : memref<80xi32, #tpu.memory_space<vmem>>) semaphore(%arg14 : memref<!tpu.dma_semaphore, #tpu.memory_space<semaphore_mem>>)
      %dma_wait3A_78 = arith.constant 0 : i32
      %dma_wait3A_79 = arith.constant 0 : i32
      %dma_wait3A_80 = tpu.memref_slice %arg2[%dma_wait3A_78, %dma_wait3A_79] : memref<10000x128xf32, #tpu.memory_space<hbm>> -> memref<10000x128xf32, #tpu.memory_space<hbm>>
      tpu.wait_indirect_dma semaphore(%arg15 : memref<!tpu.dma_semaphore, #tpu.memory_space<semaphore_mem>>) src(%dma_wait3A_80 : memref<10000x128xf32, #tpu.memory_space<hbm>>) dst(%arg12 : memref<80x128xf32, #tpu.memory_space<vmem>>)
      "tpu.region"() ({
        %run_scoped3A = tpu.sem_alloc : memref<!tpu.dma_semaphore, #tpu.memory_space<semaphore_mem>>
        %dma_start3A_85 = arith.constant 0 : i32
        %dma_start3A_86 = arith.constant 0 : i32
        %dma_start3A_87 = tpu.memref_slice %arg13[%dma_start3A_85, %dma_start3A_86] : memref<10240x128xf32, #tpu.memory_space<vmem_shared>> -> memref<10240x128xf32, #tpu.memory_space<vmem_shared>>
        tpu.enqueue_indirect_dma source(%arg12 : memref<80x128xf32, #tpu.memory_space<vmem>>) target(%dma_start3A_87 : memref<10240x128xf32, #tpu.memory_space<vmem_shared>>) offsets(%arg10 : memref<80xi32, #tpu.memory_space<vmem>>) semaphore(%run_scoped3A : memref<!tpu.dma_semaphore, #tpu.memory_space<semaphore_mem>>) {add = true}
        %dma_wait3A_88 = arith.constant 0 : i32
        %dma_wait3A_89 = arith.constant 0 : i32
        %dma_wait3A_90 = tpu.memref_slice %arg13[%dma_wait3A_88, %dma_wait3A_89] : memref<10240x128xf32, #tpu.memory_space<vmem_shared>> -> memref<10240x128xf32, #tpu.memory_space<vmem_shared>>
        tpu.wait_indirect_dma semaphore(%run_scoped3A : memref<!tpu.dma_semaphore, #tpu.memory_space<semaphore_mem>>) src(%arg12 : memref<80x128xf32, #tpu.memory_space<vmem>>) dst(%dma_wait3A_90 : memref<10240x128xf32, #tpu.memory_space<vmem_shared>>)
        tpu.yield
      }) : () -> ()
      %add3A_81 = arith.constant 3 : i32
      %add3A_82 = arith.addi %add3A_45, %add3A_81 : i32
      %lt3A = arith.constant 125 : i32
      %lt3A_83 = arith.cmpi slt, %add3A_82, %lt3A : i32
      %convert_element_type3A = arith.extui %lt3A_83 : i1 to i32
      %cond3A = arith.constant 0 : i32
      %cond3A_84 = arith.cmpi ne, %convert_element_type3A, %cond3A : i32
      scf.if %cond3A_84 {
        %add3A_85 = arith.constant 3 : i32
        %add3A_86 = arith.addi %add3A_45, %add3A_85 : i32
        %mul3A_87 = arith.constant 10000 : i32
        %mul3A_88 = arith.muli %add3A, %mul3A_87 : i32
        %mul3A_89 = arith.constant 80 : i32
        %mul3A_90 = arith.muli %add3A_86, %mul3A_89 : i32
        %add3A_91 = arith.addi %mul3A_88, %mul3A_90 : i32
        %dma_start3A_92 = tpu.memref_slice %arg3[%add3A_91] : memref<320000xi32, #tpu.memory_space<hbm>> -> memref<80xi32, #tpu.memory_space<hbm>>
        %dma_start3A_93 = tpu.memref_slice %arg3[%add3A_91] : memref<320000xi32, #tpu.memory_space<hbm>> -> memref<80xi32, #tpu.memory_space<hbm>>
        tpu.enqueue_dma source(%dma_start3A_93 : memref<80xi32, #tpu.memory_space<hbm>>) target(%arg9 : memref<80xi32, #tpu.memory_space<vmem>>) target_semaphore(%arg17 : memref<!tpu.dma_semaphore, #tpu.memory_space<semaphore_mem>>)
        %dma_start3A_94 = tpu.memref_slice %arg4[%add3A_91] : memref<320000xi32, #tpu.memory_space<hbm>> -> memref<80xi32, #tpu.memory_space<hbm>>
        %dma_start3A_95 = tpu.memref_slice %arg4[%add3A_91] : memref<320000xi32, #tpu.memory_space<hbm>> -> memref<80xi32, #tpu.memory_space<hbm>>
        tpu.enqueue_dma source(%dma_start3A_95 : memref<80xi32, #tpu.memory_space<hbm>>) target(%arg10 : memref<80xi32, #tpu.memory_space<vmem>>) target_semaphore(%arg17 : memref<!tpu.dma_semaphore, #tpu.memory_space<semaphore_mem>>)
      } else {
      }
    }
    %scan3A_32 = arith.constant 62 : i32
    %dma_wait3A_33 = arith.constant 0 : i32
    %dma_wait3A_34 = arith.constant 0 : i32
    %dma_wait3A_35 = tpu.memref_slice %arg2[%dma_wait3A_33, %dma_wait3A_34] : memref<10000x128xf32, #tpu.memory_space<hbm>> -> memref<10000x128xf32, #tpu.memory_space<hbm>>
    tpu.wait_indirect_dma semaphore(%arg14 : memref<!tpu.dma_semaphore, #tpu.memory_space<semaphore_mem>>) src(%dma_wait3A_35 : memref<10000x128xf32, #tpu.memory_space<hbm>>) dst(%arg11 : memref<80x128xf32, #tpu.memory_space<vmem>>)
    "tpu.region"() ({
      %run_scoped3A = tpu.sem_alloc : memref<!tpu.dma_semaphore, #tpu.memory_space<semaphore_mem>>
      %dma_start3A_41 = arith.constant 0 : i32
      %dma_start3A_42 = arith.constant 0 : i32
      %dma_start3A_43 = tpu.memref_slice %arg13[%dma_start3A_41, %dma_start3A_42] : memref<10240x128xf32, #tpu.memory_space<vmem_shared>> -> memref<10240x128xf32, #tpu.memory_space<vmem_shared>>
      tpu.enqueue_indirect_dma source(%arg11 : memref<80x128xf32, #tpu.memory_space<vmem>>) target(%dma_start3A_43 : memref<10240x128xf32, #tpu.memory_space<vmem_shared>>) offsets(%arg8 : memref<80xi32, #tpu.memory_space<vmem>>) semaphore(%run_scoped3A : memref<!tpu.dma_semaphore, #tpu.memory_space<semaphore_mem>>) {add = true}
      %dma_wait3A_44 = arith.constant 0 : i32
      %dma_wait3A_45 = arith.constant 0 : i32
      %dma_wait3A_46 = tpu.memref_slice %arg13[%dma_wait3A_44, %dma_wait3A_45] : memref<10240x128xf32, #tpu.memory_space<vmem_shared>> -> memref<10240x128xf32, #tpu.memory_space<vmem_shared>>
      tpu.wait_indirect_dma semaphore(%run_scoped3A : memref<!tpu.dma_semaphore, #tpu.memory_space<semaphore_mem>>) src(%arg11 : memref<80x128xf32, #tpu.memory_space<vmem>>) dst(%dma_wait3A_46 : memref<10240x128xf32, #tpu.memory_space<vmem_shared>>)
      tpu.yield
    }) : () -> ()
    %barrier3A_36 = arith.constant 0 : index
    tpu.barrier barrier_id(%barrier3A_36)
    %mul3A_37 = arith.constant 640 : i32
    %mul3A_38 = arith.muli %arg1, %mul3A_37 : i32
    %mul3A_39 = arith.constant 640 : i32
    %mul3A_40 = arith.muli %arg1, %mul3A_39 : i32
    "tpu.region"() ({
      %run_scoped3A = tpu.sem_alloc : memref<!tpu.dma_semaphore, #tpu.memory_space<semaphore_mem>>
      %dma_start3A_41 = arith.constant 0 : i32
      %dma_start3A_42 = tpu.memref_slice %arg6[%arg0, %mul3A_40, %dma_start3A_41] : memref<2x10240x128xf32, #tpu.memory_space<hbm>> -> memref<1x640x128xf32, #tpu.memory_space<hbm>>
      %dma_start3A_43 = tpu.memref_squeeze %dma_start3A_42 : memref<1x640x128xf32, #tpu.memory_space<hbm>> -> memref<640x128xf32, #tpu.memory_space<hbm>>
      %dma_start3A_44 = arith.constant 0 : i32
      %dma_start3A_45 = tpu.memref_slice %arg13[%mul3A_38, %dma_start3A_44] : memref<10240x128xf32, #tpu.memory_space<vmem_shared>> -> memref<640x128xf32, #tpu.memory_space<vmem_shared>>
      tpu.enqueue_dma source(%dma_start3A_45 : memref<640x128xf32, #tpu.memory_space<vmem_shared>>) target(%dma_start3A_43 : memref<640x128xf32, #tpu.memory_space<hbm>>) target_semaphore(%run_scoped3A : memref<!tpu.dma_semaphore, #tpu.memory_space<semaphore_mem>>)
      %dma_wait3A_46 = arith.constant 0 : i32
      %dma_wait3A_47 = tpu.memref_slice %arg6[%arg0, %mul3A_40, %dma_wait3A_46] : memref<2x10240x128xf32, #tpu.memory_space<hbm>> -> memref<1x640x128xf32, #tpu.memory_space<hbm>>
      %dma_wait3A_48 = tpu.memref_squeeze %dma_wait3A_47 : memref<1x640x128xf32, #tpu.memory_space<hbm>> -> memref<640x128xf32, #tpu.memory_space<hbm>>
      %dma_wait3A_49 = arith.constant 0 : i32
      %dma_wait3A_50 = tpu.memref_slice %arg13[%mul3A_38, %dma_wait3A_49] : memref<10240x128xf32, #tpu.memory_space<vmem_shared>> -> memref<640x128xf32, #tpu.memory_space<vmem_shared>>
      tpu.wait_dma2 semaphore(%run_scoped3A : memref<!tpu.dma_semaphore, #tpu.memory_space<semaphore_mem>>) src(%dma_wait3A_50 : memref<640x128xf32, #tpu.memory_space<vmem_shared>>) dst(%dma_wait3A_48 : memref<640x128xf32, #tpu.memory_space<hbm>>)
      tpu.yield
    }) : () -> ()
    return
  }
}

#map = affine_map<(d0, d1) -> (0)>
#map1 = affine_map<(d0, d1) -> (0, 0)>
#map2 = affine_map<(d0, d1) -> (0, 0, 0, 0)>
module attributes {stable_mosaic.version = 14 : i64} {
  func.func @_sc_degrees(%arg0: i32, %arg1: i32, %arg2: memref<320000xi32, #tpu.memory_space<hbm>>, %arg3: memref<320000xi32, #tpu.memory_space<hbm>>, %arg4: memref<80x128xf32, #tpu.memory_space<hbm>>, %arg5: memref<80x128xf32, #tpu.memory_space<hbm>>, %arg6: memref<2x2x10240x128xf32, #tpu.memory_space<hbm>>, %arg7: memref<80xi32, #tpu.memory_space<vmem>>, %arg8: memref<80xi32, #tpu.memory_space<vmem>>, %arg9: memref<80x128xf32, #tpu.memory_space<vmem>>, %arg10: memref<80x128xf32, #tpu.memory_space<vmem>>, %arg11: memref<10240x128xf32, #tpu.memory_space<vmem_shared>>, %arg12: memref<!tpu.dma_semaphore, #tpu.memory_space<semaphore_mem>>, %arg13: memref<!tpu.dma_semaphore, #tpu.memory_space<semaphore_mem>>) attributes {dimension_semantics = [#tpu.dimension_semantics<core_parallel>, #tpu.dimension_semantics<subcore_parallel>], iteration_bounds = array<i64: 2, 16>, scalar_prefetch = 0 : i64, scratch_operands = 7 : i64, tpu.core_type = #tpu.core_type<sc_vector_subcore>, window_params = [{transform_indices = #map}, {transform_indices = #map}, {transform_indices = #map1}, {transform_indices = #map1}, {transform_indices = #map2}]} {
    %mul3A = arith.constant 16 : i32
    %mul3A_0 = arith.muli %arg0, %mul3A : i32
    %add3A = arith.addi %mul3A_0, %arg1 : i32
    "tpu.region"() ({
      %run_scoped3A_42 = tpu.sem_alloc : memref<!tpu.dma_semaphore, #tpu.memory_space<semaphore_mem>>
      tpu.enqueue_dma source(%arg5 : memref<80x128xf32, #tpu.memory_space<hbm>>) target(%arg10 : memref<80x128xf32, #tpu.memory_space<vmem>>) target_semaphore(%run_scoped3A_42 : memref<!tpu.dma_semaphore, #tpu.memory_space<semaphore_mem>>)
      tpu.wait_dma2 semaphore(%run_scoped3A_42 : memref<!tpu.dma_semaphore, #tpu.memory_space<semaphore_mem>>) src(%arg5 : memref<80x128xf32, #tpu.memory_space<hbm>>) dst(%arg10 : memref<80x128xf32, #tpu.memory_space<vmem>>)
      tpu.yield
    }) : () -> ()
    "tpu.region"() ({
      %run_scoped3A_42 = tpu.sem_alloc : memref<!tpu.dma_semaphore, #tpu.memory_space<semaphore_mem>>
      tpu.enqueue_dma source(%arg4 : memref<80x128xf32, #tpu.memory_space<hbm>>) target(%arg9 : memref<80x128xf32, #tpu.memory_space<vmem>>) target_semaphore(%run_scoped3A_42 : memref<!tpu.dma_semaphore, #tpu.memory_space<semaphore_mem>>)
      tpu.wait_dma2 semaphore(%run_scoped3A_42 : memref<!tpu.dma_semaphore, #tpu.memory_space<semaphore_mem>>) src(%arg4 : memref<80x128xf32, #tpu.memory_space<hbm>>) dst(%arg9 : memref<80x128xf32, #tpu.memory_space<vmem>>)
      tpu.yield
    }) : () -> ()
    %scan3A = arith.constant 0 : i32
    %scan3A_1 = arith.constant 8 : i32
    %scan3A_2 = arith.addi %scan3A, %scan3A_1 : i32
    %scan3A_3 = arith.constant 1 : i32
    scf.for %scan3A_42 = %scan3A to %scan3A_2 step %scan3A_3  : i32 {
      %mul3A_43 = arith.constant 1 : i32
      %mul3A_44 = arith.muli %scan3A_42, %mul3A_43 : i32
      %add3A_45 = arith.constant 0 : i32
      %add3A_46 = arith.addi %add3A_45, %mul3A_44 : i32
      %mul3A_47 = arith.constant 640 : i32
      %mul3A_48 = arith.muli %arg1, %mul3A_47 : i32
      %mul3A_49 = arith.constant 80 : i32
      %mul3A_50 = arith.muli %add3A_46, %mul3A_49 : i32
      %add3A_51 = arith.addi %mul3A_48, %mul3A_50 : i32
      "tpu.region"() ({
        %run_scoped3A_52 = tpu.sem_alloc : memref<!tpu.dma_semaphore, #tpu.memory_space<semaphore_mem>>
        %dma_start3A_53 = arith.constant 0 : i32
        %dma_start3A_54 = tpu.memref_slice %arg11[%add3A_51, %dma_start3A_53] : memref<10240x128xf32, #tpu.memory_space<vmem_shared>> -> memref<80x128xf32, #tpu.memory_space<vmem_shared>>
        %dma_start3A_55 = arith.constant 0 : i32
        %dma_start3A_56 = tpu.memref_slice %arg11[%add3A_51, %dma_start3A_55] : memref<10240x128xf32, #tpu.memory_space<vmem_shared>> -> memref<80x128xf32, #tpu.memory_space<vmem_shared>>
        tpu.enqueue_dma source(%arg10 : memref<80x128xf32, #tpu.memory_space<vmem>>) target(%dma_start3A_56 : memref<80x128xf32, #tpu.memory_space<vmem_shared>>) target_semaphore(%run_scoped3A_52 : memref<!tpu.dma_semaphore, #tpu.memory_space<semaphore_mem>>)
        %dma_wait3A_57 = arith.constant 0 : i32
        %dma_wait3A_58 = tpu.memref_slice %arg11[%add3A_51, %dma_wait3A_57] : memref<10240x128xf32, #tpu.memory_space<vmem_shared>> -> memref<80x128xf32, #tpu.memory_space<vmem_shared>>
        %dma_wait3A_59 = arith.constant 0 : i32
        %dma_wait3A_60 = tpu.memref_slice %arg11[%add3A_51, %dma_wait3A_59] : memref<10240x128xf32, #tpu.memory_space<vmem_shared>> -> memref<80x128xf32, #tpu.memory_space<vmem_shared>>
        tpu.wait_dma2 semaphore(%run_scoped3A_52 : memref<!tpu.dma_semaphore, #tpu.memory_space<semaphore_mem>>) src(%arg10 : memref<80x128xf32, #tpu.memory_space<vmem>>) dst(%dma_wait3A_60 : memref<80x128xf32, #tpu.memory_space<vmem_shared>>)
        tpu.yield
      }) : () -> ()
    }
    %scan3A_4 = arith.constant 8 : i32
    %barrier3A = arith.constant 0 : index
    tpu.barrier barrier_id(%barrier3A)
    %mul3A_5 = arith.constant 10000 : i32
    %mul3A_6 = arith.muli %add3A, %mul3A_5 : i32
    %dma_start3A = tpu.memref_slice %arg2[%mul3A_6] : memref<320000xi32, #tpu.memory_space<hbm>> -> memref<80xi32, #tpu.memory_space<hbm>>
    %dma_start3A_7 = tpu.memref_slice %arg2[%mul3A_6] : memref<320000xi32, #tpu.memory_space<hbm>> -> memref<80xi32, #tpu.memory_space<hbm>>
    tpu.enqueue_dma source(%dma_start3A_7 : memref<80xi32, #tpu.memory_space<hbm>>) target(%arg7 : memref<80xi32, #tpu.memory_space<vmem>>) target_semaphore(%arg12 : memref<!tpu.dma_semaphore, #tpu.memory_space<semaphore_mem>>)
    %scan3A_8 = arith.constant 0 : i32
    %scan3A_9 = arith.constant 62 : i32
    %scan3A_10 = arith.addi %scan3A_8, %scan3A_9 : i32
    %scan3A_11 = arith.constant 1 : i32
    scf.for %scan3A_42 = %scan3A_8 to %scan3A_10 step %scan3A_11  : i32 {
      %mul3A_43 = arith.constant 2 : i32
      %mul3A_44 = arith.muli %scan3A_42, %mul3A_43 : i32
      %add3A_45 = arith.constant 0 : i32
      %add3A_46 = arith.addi %add3A_45, %mul3A_44 : i32
      %mul3A_47 = arith.constant 10000 : i32
      %mul3A_48 = arith.muli %add3A, %mul3A_47 : i32
      %add3A_49 = arith.constant 1 : i32
      %add3A_50 = arith.addi %add3A_46, %add3A_49 : i32
      %mul3A_51 = arith.constant 80 : i32
      %mul3A_52 = arith.muli %add3A_50, %mul3A_51 : i32
      %add3A_53 = arith.addi %mul3A_48, %mul3A_52 : i32
      %dma_start3A_54 = tpu.memref_slice %arg2[%add3A_53] : memref<320000xi32, #tpu.memory_space<hbm>> -> memref<80xi32, #tpu.memory_space<hbm>>
      %dma_start3A_55 = tpu.memref_slice %arg2[%add3A_53] : memref<320000xi32, #tpu.memory_space<hbm>> -> memref<80xi32, #tpu.memory_space<hbm>>
      tpu.enqueue_dma source(%dma_start3A_55 : memref<80xi32, #tpu.memory_space<hbm>>) target(%arg8 : memref<80xi32, #tpu.memory_space<vmem>>) target_semaphore(%arg13 : memref<!tpu.dma_semaphore, #tpu.memory_space<semaphore_mem>>)
      %dma_wait3A_56 = tpu.memref_slice %arg2[%add3A_53] : memref<320000xi32, #tpu.memory_space<hbm>> -> memref<80xi32, #tpu.memory_space<hbm>>
      %dma_wait3A_57 = tpu.memref_slice %arg2[%add3A_53] : memref<320000xi32, #tpu.memory_space<hbm>> -> memref<80xi32, #tpu.memory_space<hbm>>
      tpu.wait_dma2 semaphore(%arg12 : memref<!tpu.dma_semaphore, #tpu.memory_space<semaphore_mem>>) src(%dma_wait3A_57 : memref<80xi32, #tpu.memory_space<hbm>>) dst(%arg7 : memref<80xi32, #tpu.memory_space<vmem>>)
      "tpu.region"() ({
        %run_scoped3A_69 = tpu.sem_alloc : memref<!tpu.dma_semaphore, #tpu.memory_space<semaphore_mem>>
        %dma_start3A_70 = arith.constant 0 : i32
        %dma_start3A_71 = arith.constant 0 : i32
        %dma_start3A_72 = tpu.memref_slice %arg11[%dma_start3A_70, %dma_start3A_71] : memref<10240x128xf32, #tpu.memory_space<vmem_shared>> -> memref<10240x128xf32, #tpu.memory_space<vmem_shared>>
        tpu.enqueue_indirect_dma source(%arg9 : memref<80x128xf32, #tpu.memory_space<vmem>>) target(%dma_start3A_72 : memref<10240x128xf32, #tpu.memory_space<vmem_shared>>) offsets(%arg7 : memref<80xi32, #tpu.memory_space<vmem>>) semaphore(%run_scoped3A_69 : memref<!tpu.dma_semaphore, #tpu.memory_space<semaphore_mem>>) {add = true}
        %dma_wait3A_73 = arith.constant 0 : i32
        %dma_wait3A_74 = arith.constant 0 : i32
        %dma_wait3A_75 = tpu.memref_slice %arg11[%dma_wait3A_73, %dma_wait3A_74] : memref<10240x128xf32, #tpu.memory_space<vmem_shared>> -> memref<10240x128xf32, #tpu.memory_space<vmem_shared>>
        tpu.wait_indirect_dma semaphore(%run_scoped3A_69 : memref<!tpu.dma_semaphore, #tpu.memory_space<semaphore_mem>>) src(%arg9 : memref<80x128xf32, #tpu.memory_space<vmem>>) dst(%dma_wait3A_75 : memref<10240x128xf32, #tpu.memory_space<vmem_shared>>)
        tpu.yield
      }) : () -> ()
      %mul3A_58 = arith.constant 10000 : i32
      %mul3A_59 = arith.muli %add3A, %mul3A_58 : i32
      %add3A_60 = arith.constant 2 : i32
      %add3A_61 = arith.addi %add3A_46, %add3A_60 : i32
      %mul3A_62 = arith.constant 80 : i32
      %mul3A_63 = arith.muli %add3A_61, %mul3A_62 : i32
      %add3A_64 = arith.addi %mul3A_59, %mul3A_63 : i32
      %dma_start3A_65 = tpu.memref_slice %arg2[%add3A_64] : memref<320000xi32, #tpu.memory_space<hbm>> -> memref<80xi32, #tpu.memory_space<hbm>>
      %dma_start3A_66 = tpu.memref_slice %arg2[%add3A_64] : memref<320000xi32, #tpu.memory_space<hbm>> -> memref<80xi32, #tpu.memory_space<hbm>>
      tpu.enqueue_dma source(%dma_start3A_66 : memref<80xi32, #tpu.memory_space<hbm>>) target(%arg7 : memref<80xi32, #tpu.memory_space<vmem>>) target_semaphore(%arg12 : memref<!tpu.dma_semaphore, #tpu.memory_space<semaphore_mem>>)
      %dma_wait3A_67 = tpu.memref_slice %arg2[%add3A_64] : memref<320000xi32, #tpu.memory_space<hbm>> -> memref<80xi32, #tpu.memory_space<hbm>>
      %dma_wait3A_68 = tpu.memref_slice %arg2[%add3A_64] : memref<320000xi32, #tpu.memory_space<hbm>> -> memref<80xi32, #tpu.memory_space<hbm>>
      tpu.wait_dma2 semaphore(%arg13 : memref<!tpu.dma_semaphore, #tpu.memory_space<semaphore_mem>>) src(%dma_wait3A_68 : memref<80xi32, #tpu.memory_space<hbm>>) dst(%arg8 : memref<80xi32, #tpu.memory_space<vmem>>)
      "tpu.region"() ({
        %run_scoped3A_69 = tpu.sem_alloc : memref<!tpu.dma_semaphore, #tpu.memory_space<semaphore_mem>>
        %dma_start3A_70 = arith.constant 0 : i32
        %dma_start3A_71 = arith.constant 0 : i32
        %dma_start3A_72 = tpu.memref_slice %arg11[%dma_start3A_70, %dma_start3A_71] : memref<10240x128xf32, #tpu.memory_space<vmem_shared>> -> memref<10240x128xf32, #tpu.memory_space<vmem_shared>>
        tpu.enqueue_indirect_dma source(%arg9 : memref<80x128xf32, #tpu.memory_space<vmem>>) target(%dma_start3A_72 : memref<10240x128xf32, #tpu.memory_space<vmem_shared>>) offsets(%arg8 : memref<80xi32, #tpu.memory_space<vmem>>) semaphore(%run_scoped3A_69 : memref<!tpu.dma_semaphore, #tpu.memory_space<semaphore_mem>>) {add = true}
        %dma_wait3A_73 = arith.constant 0 : i32
        %dma_wait3A_74 = arith.constant 0 : i32
        %dma_wait3A_75 = tpu.memref_slice %arg11[%dma_wait3A_73, %dma_wait3A_74] : memref<10240x128xf32, #tpu.memory_space<vmem_shared>> -> memref<10240x128xf32, #tpu.memory_space<vmem_shared>>
        tpu.wait_indirect_dma semaphore(%run_scoped3A_69 : memref<!tpu.dma_semaphore, #tpu.memory_space<semaphore_mem>>) src(%arg9 : memref<80x128xf32, #tpu.memory_space<vmem>>) dst(%dma_wait3A_75 : memref<10240x128xf32, #tpu.memory_space<vmem_shared>>)
        tpu.yield
      }) : () -> ()
    }
    %scan3A_12 = arith.constant 62 : i32
    %dma_wait3A = tpu.memref_slice %arg2[%mul3A_6] : memref<320000xi32, #tpu.memory_space<hbm>> -> memref<80xi32, #tpu.memory_space<hbm>>
    %dma_wait3A_13 = tpu.memref_slice %arg2[%mul3A_6] : memref<320000xi32, #tpu.memory_space<hbm>> -> memref<80xi32, #tpu.memory_space<hbm>>
    tpu.wait_dma2 semaphore(%arg12 : memref<!tpu.dma_semaphore, #tpu.memory_space<semaphore_mem>>) src(%dma_wait3A_13 : memref<80xi32, #tpu.memory_space<hbm>>) dst(%arg7 : memref<80xi32, #tpu.memory_space<vmem>>)
    "tpu.region"() ({
      %run_scoped3A_42 = tpu.sem_alloc : memref<!tpu.dma_semaphore, #tpu.memory_space<semaphore_mem>>
      %dma_start3A_43 = arith.constant 0 : i32
      %dma_start3A_44 = arith.constant 0 : i32
      %dma_start3A_45 = tpu.memref_slice %arg11[%dma_start3A_43, %dma_start3A_44] : memref<10240x128xf32, #tpu.memory_space<vmem_shared>> -> memref<10240x128xf32, #tpu.memory_space<vmem_shared>>
      tpu.enqueue_indirect_dma source(%arg9 : memref<80x128xf32, #tpu.memory_space<vmem>>) target(%dma_start3A_45 : memref<10240x128xf32, #tpu.memory_space<vmem_shared>>) offsets(%arg7 : memref<80xi32, #tpu.memory_space<vmem>>) semaphore(%run_scoped3A_42 : memref<!tpu.dma_semaphore, #tpu.memory_space<semaphore_mem>>) {add = true}
      %dma_wait3A_46 = arith.constant 0 : i32
      %dma_wait3A_47 = arith.constant 0 : i32
      %dma_wait3A_48 = tpu.memref_slice %arg11[%dma_wait3A_46, %dma_wait3A_47] : memref<10240x128xf32, #tpu.memory_space<vmem_shared>> -> memref<10240x128xf32, #tpu.memory_space<vmem_shared>>
      tpu.wait_indirect_dma semaphore(%run_scoped3A_42 : memref<!tpu.dma_semaphore, #tpu.memory_space<semaphore_mem>>) src(%arg9 : memref<80x128xf32, #tpu.memory_space<vmem>>) dst(%dma_wait3A_48 : memref<10240x128xf32, #tpu.memory_space<vmem_shared>>)
      tpu.yield
    }) : () -> ()
    %barrier3A_14 = arith.constant 0 : index
    tpu.barrier barrier_id(%barrier3A_14)
    %mul3A_15 = arith.constant 640 : i32
    %mul3A_16 = arith.muli %arg1, %mul3A_15 : i32
    %mul3A_17 = arith.constant 640 : i32
    %mul3A_18 = arith.muli %arg1, %mul3A_17 : i32
    %run_scoped3A = arith.constant 0 : i32
    "tpu.region"() ({
      %run_scoped3A_42 = tpu.sem_alloc : memref<!tpu.dma_semaphore, #tpu.memory_space<semaphore_mem>>
      %dma_start3A_43 = arith.constant 0 : i32
      %dma_start3A_44 = tpu.memref_slice %arg6[%arg0, %run_scoped3A, %mul3A_18, %dma_start3A_43] : memref<2x2x10240x128xf32, #tpu.memory_space<hbm>> -> memref<1x1x640x128xf32, #tpu.memory_space<hbm>>
      %dma_start3A_45 = tpu.memref_squeeze %dma_start3A_44 : memref<1x1x640x128xf32, #tpu.memory_space<hbm>> -> memref<640x128xf32, #tpu.memory_space<hbm>>
      %dma_start3A_46 = arith.constant 0 : i32
      %dma_start3A_47 = tpu.memref_slice %arg11[%mul3A_16, %dma_start3A_46] : memref<10240x128xf32, #tpu.memory_space<vmem_shared>> -> memref<640x128xf32, #tpu.memory_space<vmem_shared>>
      tpu.enqueue_dma source(%dma_start3A_47 : memref<640x128xf32, #tpu.memory_space<vmem_shared>>) target(%dma_start3A_45 : memref<640x128xf32, #tpu.memory_space<hbm>>) target_semaphore(%run_scoped3A_42 : memref<!tpu.dma_semaphore, #tpu.memory_space<semaphore_mem>>)
      %dma_wait3A_48 = arith.constant 0 : i32
      %dma_wait3A_49 = tpu.memref_slice %arg6[%arg0, %run_scoped3A, %mul3A_18, %dma_wait3A_48] : memref<2x2x10240x128xf32, #tpu.memory_space<hbm>> -> memref<1x1x640x128xf32, #tpu.memory_space<hbm>>
      %dma_wait3A_50 = tpu.memref_squeeze %dma_wait3A_49 : memref<1x1x640x128xf32, #tpu.memory_space<hbm>> -> memref<640x128xf32, #tpu.memory_space<hbm>>
      %dma_wait3A_51 = arith.constant 0 : i32
      %dma_wait3A_52 = tpu.memref_slice %arg11[%mul3A_16, %dma_wait3A_51] : memref<10240x128xf32, #tpu.memory_space<vmem_shared>> -> memref<640x128xf32, #tpu.memory_space<vmem_shared>>
      tpu.wait_dma2 semaphore(%run_scoped3A_42 : memref<!tpu.dma_semaphore, #tpu.memory_space<semaphore_mem>>) src(%dma_wait3A_52 : memref<640x128xf32, #tpu.memory_space<vmem_shared>>) dst(%dma_wait3A_50 : memref<640x128xf32, #tpu.memory_space<hbm>>)
      tpu.yield
    }) : () -> ()
    %scan3A_19 = arith.constant 0 : i32
    %scan3A_20 = arith.constant 8 : i32
    %scan3A_21 = arith.addi %scan3A_19, %scan3A_20 : i32
    %scan3A_22 = arith.constant 1 : i32
    scf.for %scan3A_42 = %scan3A_19 to %scan3A_21 step %scan3A_22  : i32 {
      %mul3A_43 = arith.constant 1 : i32
      %mul3A_44 = arith.muli %scan3A_42, %mul3A_43 : i32
      %add3A_45 = arith.constant 0 : i32
      %add3A_46 = arith.addi %add3A_45, %mul3A_44 : i32
      %mul3A_47 = arith.constant 640 : i32
      %mul3A_48 = arith.muli %arg1, %mul3A_47 : i32
      %mul3A_49 = arith.constant 80 : i32
      %mul3A_50 = arith.muli %add3A_46, %mul3A_49 : i32
      %add3A_51 = arith.addi %mul3A_48, %mul3A_50 : i32
      "tpu.region"() ({
        %run_scoped3A_52 = tpu.sem_alloc : memref<!tpu.dma_semaphore, #tpu.memory_space<semaphore_mem>>
        %dma_start3A_53 = arith.constant 0 : i32
        %dma_start3A_54 = tpu.memref_slice %arg11[%add3A_51, %dma_start3A_53] : memref<10240x128xf32, #tpu.memory_space<vmem_shared>> -> memref<80x128xf32, #tpu.memory_space<vmem_shared>>
        %dma_start3A_55 = arith.constant 0 : i32
        %dma_start3A_56 = tpu.memref_slice %arg11[%add3A_51, %dma_start3A_55] : memref<10240x128xf32, #tpu.memory_space<vmem_shared>> -> memref<80x128xf32, #tpu.memory_space<vmem_shared>>
        tpu.enqueue_dma source(%arg10 : memref<80x128xf32, #tpu.memory_space<vmem>>) target(%dma_start3A_56 : memref<80x128xf32, #tpu.memory_space<vmem_shared>>) target_semaphore(%run_scoped3A_52 : memref<!tpu.dma_semaphore, #tpu.memory_space<semaphore_mem>>)
        %dma_wait3A_57 = arith.constant 0 : i32
        %dma_wait3A_58 = tpu.memref_slice %arg11[%add3A_51, %dma_wait3A_57] : memref<10240x128xf32, #tpu.memory_space<vmem_shared>> -> memref<80x128xf32, #tpu.memory_space<vmem_shared>>
        %dma_wait3A_59 = arith.constant 0 : i32
        %dma_wait3A_60 = tpu.memref_slice %arg11[%add3A_51, %dma_wait3A_59] : memref<10240x128xf32, #tpu.memory_space<vmem_shared>> -> memref<80x128xf32, #tpu.memory_space<vmem_shared>>
        tpu.wait_dma2 semaphore(%run_scoped3A_52 : memref<!tpu.dma_semaphore, #tpu.memory_space<semaphore_mem>>) src(%arg10 : memref<80x128xf32, #tpu.memory_space<vmem>>) dst(%dma_wait3A_60 : memref<80x128xf32, #tpu.memory_space<vmem_shared>>)
        tpu.yield
      }) : () -> ()
    }
    %scan3A_23 = arith.constant 8 : i32
    %barrier3A_24 = arith.constant 0 : index
    tpu.barrier barrier_id(%barrier3A_24)
    %mul3A_25 = arith.constant 10000 : i32
    %mul3A_26 = arith.muli %add3A, %mul3A_25 : i32
    %dma_start3A_27 = tpu.memref_slice %arg3[%mul3A_26] : memref<320000xi32, #tpu.memory_space<hbm>> -> memref<80xi32, #tpu.memory_space<hbm>>
    %dma_start3A_28 = tpu.memref_slice %arg3[%mul3A_26] : memref<320000xi32, #tpu.memory_space<hbm>> -> memref<80xi32, #tpu.memory_space<hbm>>
    tpu.enqueue_dma source(%dma_start3A_28 : memref<80xi32, #tpu.memory_space<hbm>>) target(%arg7 : memref<80xi32, #tpu.memory_space<vmem>>) target_semaphore(%arg12 : memref<!tpu.dma_semaphore, #tpu.memory_space<semaphore_mem>>)
    %scan3A_29 = arith.constant 0 : i32
    %scan3A_30 = arith.constant 62 : i32
    %scan3A_31 = arith.addi %scan3A_29, %scan3A_30 : i32
    %scan3A_32 = arith.constant 1 : i32
    scf.for %scan3A_42 = %scan3A_29 to %scan3A_31 step %scan3A_32  : i32 {
      %mul3A_43 = arith.constant 2 : i32
      %mul3A_44 = arith.muli %scan3A_42, %mul3A_43 : i32
      %add3A_45 = arith.constant 0 : i32
      %add3A_46 = arith.addi %add3A_45, %mul3A_44 : i32
      %mul3A_47 = arith.constant 10000 : i32
      %mul3A_48 = arith.muli %add3A, %mul3A_47 : i32
      %add3A_49 = arith.constant 1 : i32
      %add3A_50 = arith.addi %add3A_46, %add3A_49 : i32
      %mul3A_51 = arith.constant 80 : i32
      %mul3A_52 = arith.muli %add3A_50, %mul3A_51 : i32
      %add3A_53 = arith.addi %mul3A_48, %mul3A_52 : i32
      %dma_start3A_54 = tpu.memref_slice %arg3[%add3A_53] : memref<320000xi32, #tpu.memory_space<hbm>> -> memref<80xi32, #tpu.memory_space<hbm>>
      %dma_start3A_55 = tpu.memref_slice %arg3[%add3A_53] : memref<320000xi32, #tpu.memory_space<hbm>> -> memref<80xi32, #tpu.memory_space<hbm>>
      tpu.enqueue_dma source(%dma_start3A_55 : memref<80xi32, #tpu.memory_space<hbm>>) target(%arg8 : memref<80xi32, #tpu.memory_space<vmem>>) target_semaphore(%arg13 : memref<!tpu.dma_semaphore, #tpu.memory_space<semaphore_mem>>)
      %dma_wait3A_56 = tpu.memref_slice %arg3[%add3A_53] : memref<320000xi32, #tpu.memory_space<hbm>> -> memref<80xi32, #tpu.memory_space<hbm>>
      %dma_wait3A_57 = tpu.memref_slice %arg3[%add3A_53] : memref<320000xi32, #tpu.memory_space<hbm>> -> memref<80xi32, #tpu.memory_space<hbm>>
      tpu.wait_dma2 semaphore(%arg12 : memref<!tpu.dma_semaphore, #tpu.memory_space<semaphore_mem>>) src(%dma_wait3A_57 : memref<80xi32, #tpu.memory_space<hbm>>) dst(%arg7 : memref<80xi32, #tpu.memory_space<vmem>>)
      "tpu.region"() ({
        %run_scoped3A_69 = tpu.sem_alloc : memref<!tpu.dma_semaphore, #tpu.memory_space<semaphore_mem>>
        %dma_start3A_70 = arith.constant 0 : i32
        %dma_start3A_71 = arith.constant 0 : i32
        %dma_start3A_72 = tpu.memref_slice %arg11[%dma_start3A_70, %dma_start3A_71] : memref<10240x128xf32, #tpu.memory_space<vmem_shared>> -> memref<10240x128xf32, #tpu.memory_space<vmem_shared>>
        tpu.enqueue_indirect_dma source(%arg9 : memref<80x128xf32, #tpu.memory_space<vmem>>) target(%dma_start3A_72 : memref<10240x128xf32, #tpu.memory_space<vmem_shared>>) offsets(%arg7 : memref<80xi32, #tpu.memory_space<vmem>>) semaphore(%run_scoped3A_69 : memref<!tpu.dma_semaphore, #tpu.memory_space<semaphore_mem>>) {add = true}
        %dma_wait3A_73 = arith.constant 0 : i32
        %dma_wait3A_74 = arith.constant 0 : i32
        %dma_wait3A_75 = tpu.memref_slice %arg11[%dma_wait3A_73, %dma_wait3A_74] : memref<10240x128xf32, #tpu.memory_space<vmem_shared>> -> memref<10240x128xf32, #tpu.memory_space<vmem_shared>>
        tpu.wait_indirect_dma semaphore(%run_scoped3A_69 : memref<!tpu.dma_semaphore, #tpu.memory_space<semaphore_mem>>) src(%arg9 : memref<80x128xf32, #tpu.memory_space<vmem>>) dst(%dma_wait3A_75 : memref<10240x128xf32, #tpu.memory_space<vmem_shared>>)
        tpu.yield
      }) : () -> ()
      %mul3A_58 = arith.constant 10000 : i32
      %mul3A_59 = arith.muli %add3A, %mul3A_58 : i32
      %add3A_60 = arith.constant 2 : i32
      %add3A_61 = arith.addi %add3A_46, %add3A_60 : i32
      %mul3A_62 = arith.constant 80 : i32
      %mul3A_63 = arith.muli %add3A_61, %mul3A_62 : i32
      %add3A_64 = arith.addi %mul3A_59, %mul3A_63 : i32
      %dma_start3A_65 = tpu.memref_slice %arg3[%add3A_64] : memref<320000xi32, #tpu.memory_space<hbm>> -> memref<80xi32, #tpu.memory_space<hbm>>
      %dma_start3A_66 = tpu.memref_slice %arg3[%add3A_64] : memref<320000xi32, #tpu.memory_space<hbm>> -> memref<80xi32, #tpu.memory_space<hbm>>
      tpu.enqueue_dma source(%dma_start3A_66 : memref<80xi32, #tpu.memory_space<hbm>>) target(%arg7 : memref<80xi32, #tpu.memory_space<vmem>>) target_semaphore(%arg12 : memref<!tpu.dma_semaphore, #tpu.memory_space<semaphore_mem>>)
      %dma_wait3A_67 = tpu.memref_slice %arg3[%add3A_64] : memref<320000xi32, #tpu.memory_space<hbm>> -> memref<80xi32, #tpu.memory_space<hbm>>
      %dma_wait3A_68 = tpu.memref_slice %arg3[%add3A_64] : memref<320000xi32, #tpu.memory_space<hbm>> -> memref<80xi32, #tpu.memory_space<hbm>>
      tpu.wait_dma2 semaphore(%arg13 : memref<!tpu.dma_semaphore, #tpu.memory_space<semaphore_mem>>) src(%dma_wait3A_68 : memref<80xi32, #tpu.memory_space<hbm>>) dst(%arg8 : memref<80xi32, #tpu.memory_space<vmem>>)
      "tpu.region"() ({
        %run_scoped3A_69 = tpu.sem_alloc : memref<!tpu.dma_semaphore, #tpu.memory_space<semaphore_mem>>
        %dma_start3A_70 = arith.constant 0 : i32
        %dma_start3A_71 = arith.constant 0 : i32
        %dma_start3A_72 = tpu.memref_slice %arg11[%dma_start3A_70, %dma_start3A_71] : memref<10240x128xf32, #tpu.memory_space<vmem_shared>> -> memref<10240x128xf32, #tpu.memory_space<vmem_shared>>
        tpu.enqueue_indirect_dma source(%arg9 : memref<80x128xf32, #tpu.memory_space<vmem>>) target(%dma_start3A_72 : memref<10240x128xf32, #tpu.memory_space<vmem_shared>>) offsets(%arg8 : memref<80xi32, #tpu.memory_space<vmem>>) semaphore(%run_scoped3A_69 : memref<!tpu.dma_semaphore, #tpu.memory_space<semaphore_mem>>) {add = true}
        %dma_wait3A_73 = arith.constant 0 : i32
        %dma_wait3A_74 = arith.constant 0 : i32
        %dma_wait3A_75 = tpu.memref_slice %arg11[%dma_wait3A_73, %dma_wait3A_74] : memref<10240x128xf32, #tpu.memory_space<vmem_shared>> -> memref<10240x128xf32, #tpu.memory_space<vmem_shared>>
        tpu.wait_indirect_dma semaphore(%run_scoped3A_69 : memref<!tpu.dma_semaphore, #tpu.memory_space<semaphore_mem>>) src(%arg9 : memref<80x128xf32, #tpu.memory_space<vmem>>) dst(%dma_wait3A_75 : memref<10240x128xf32, #tpu.memory_space<vmem_shared>>)
        tpu.yield
      }) : () -> ()
    }
    %scan3A_33 = arith.constant 62 : i32
    %dma_wait3A_34 = tpu.memref_slice %arg3[%mul3A_26] : memref<320000xi32, #tpu.memory_space<hbm>> -> memref<80xi32, #tpu.memory_space<hbm>>
    %dma_wait3A_35 = tpu.memref_slice %arg3[%mul3A_26] : memref<320000xi32, #tpu.memory_space<hbm>> -> memref<80xi32, #tpu.memory_space<hbm>>
    tpu.wait_dma2 semaphore(%arg12 : memref<!tpu.dma_semaphore, #tpu.memory_space<semaphore_mem>>) src(%dma_wait3A_35 : memref<80xi32, #tpu.memory_space<hbm>>) dst(%arg7 : memref<80xi32, #tpu.memory_space<vmem>>)
    "tpu.region"() ({
      %run_scoped3A_42 = tpu.sem_alloc : memref<!tpu.dma_semaphore, #tpu.memory_space<semaphore_mem>>
      %dma_start3A_43 = arith.constant 0 : i32
      %dma_start3A_44 = arith.constant 0 : i32
      %dma_start3A_45 = tpu.memref_slice %arg11[%dma_start3A_43, %dma_start3A_44] : memref<10240x128xf32, #tpu.memory_space<vmem_shared>> -> memref<10240x128xf32, #tpu.memory_space<vmem_shared>>
      tpu.enqueue_indirect_dma source(%arg9 : memref<80x128xf32, #tpu.memory_space<vmem>>) target(%dma_start3A_45 : memref<10240x128xf32, #tpu.memory_space<vmem_shared>>) offsets(%arg7 : memref<80xi32, #tpu.memory_space<vmem>>) semaphore(%run_scoped3A_42 : memref<!tpu.dma_semaphore, #tpu.memory_space<semaphore_mem>>) {add = true}
      %dma_wait3A_46 = arith.constant 0 : i32
      %dma_wait3A_47 = arith.constant 0 : i32
      %dma_wait3A_48 = tpu.memref_slice %arg11[%dma_wait3A_46, %dma_wait3A_47] : memref<10240x128xf32, #tpu.memory_space<vmem_shared>> -> memref<10240x128xf32, #tpu.memory_space<vmem_shared>>
      tpu.wait_indirect_dma semaphore(%run_scoped3A_42 : memref<!tpu.dma_semaphore, #tpu.memory_space<semaphore_mem>>) src(%arg9 : memref<80x128xf32, #tpu.memory_space<vmem>>) dst(%dma_wait3A_48 : memref<10240x128xf32, #tpu.memory_space<vmem_shared>>)
      tpu.yield
    }) : () -> ()
    %barrier3A_36 = arith.constant 0 : index
    tpu.barrier barrier_id(%barrier3A_36)
    %mul3A_37 = arith.constant 640 : i32
    %mul3A_38 = arith.muli %arg1, %mul3A_37 : i32
    %mul3A_39 = arith.constant 640 : i32
    %mul3A_40 = arith.muli %arg1, %mul3A_39 : i32
    %run_scoped3A_41 = arith.constant 1 : i32
    "tpu.region"() ({
      %run_scoped3A_42 = tpu.sem_alloc : memref<!tpu.dma_semaphore, #tpu.memory_space<semaphore_mem>>
      %dma_start3A_43 = arith.constant 0 : i32
      %dma_start3A_44 = tpu.memref_slice %arg6[%arg0, %run_scoped3A_41, %mul3A_40, %dma_start3A_43] : memref<2x2x10240x128xf32, #tpu.memory_space<hbm>> -> memref<1x1x640x128xf32, #tpu.memory_space<hbm>>
      %dma_start3A_45 = tpu.memref_squeeze %dma_start3A_44 : memref<1x1x640x128xf32, #tpu.memory_space<hbm>> -> memref<640x128xf32, #tpu.memory_space<hbm>>
      %dma_start3A_46 = arith.constant 0 : i32
      %dma_start3A_47 = tpu.memref_slice %arg11[%mul3A_38, %dma_start3A_46] : memref<10240x128xf32, #tpu.memory_space<vmem_shared>> -> memref<640x128xf32, #tpu.memory_space<vmem_shared>>
      tpu.enqueue_dma source(%dma_start3A_47 : memref<640x128xf32, #tpu.memory_space<vmem_shared>>) target(%dma_start3A_45 : memref<640x128xf32, #tpu.memory_space<hbm>>) target_semaphore(%run_scoped3A_42 : memref<!tpu.dma_semaphore, #tpu.memory_space<semaphore_mem>>)
      %dma_wait3A_48 = arith.constant 0 : i32
      %dma_wait3A_49 = tpu.memref_slice %arg6[%arg0, %run_scoped3A_41, %mul3A_40, %dma_wait3A_48] : memref<2x2x10240x128xf32, #tpu.memory_space<hbm>> -> memref<1x1x640x128xf32, #tpu.memory_space<hbm>>
      %dma_wait3A_50 = tpu.memref_squeeze %dma_wait3A_49 : memref<1x1x640x128xf32, #tpu.memory_space<hbm>> -> memref<640x128xf32, #tpu.memory_space<hbm>>
      %dma_wait3A_51 = arith.constant 0 : i32
      %dma_wait3A_52 = tpu.memref_slice %arg11[%mul3A_38, %dma_wait3A_51] : memref<10240x128xf32, #tpu.memory_space<vmem_shared>> -> memref<640x128xf32, #tpu.memory_space<vmem_shared>>
      tpu.wait_dma2 semaphore(%run_scoped3A_42 : memref<!tpu.dma_semaphore, #tpu.memory_space<semaphore_mem>>) src(%dma_wait3A_52 : memref<640x128xf32, #tpu.memory_space<vmem_shared>>) dst(%dma_wait3A_50 : memref<640x128xf32, #tpu.memory_space<hbm>>)
      tpu.yield
    }) : () -> ()
    return
  }
}

#map = affine_map<(d0, d1) -> (0, 0)>
#map1 = affine_map<(d0, d1) -> (0)>
#map2 = affine_map<(d0, d1) -> (0, 0, 0)>
module attributes {stable_mosaic.version = 14 : i64} {
  func.func @_sc_conv(%arg0: i32, %arg1: i32, %arg2: memref<10000x128xf32, #tpu.memory_space<hbm>>, %arg3: memref<320000xi32, #tpu.memory_space<hbm>>, %arg4: memref<320000xi32, #tpu.memory_space<hbm>>, %arg5: memref<80x128xf32, #tpu.memory_space<hbm>>, %arg6: memref<2x10240x128xf32, #tpu.memory_space<hbm>>, %arg7: memref<80xi32, #tpu.memory_space<vmem>>, %arg8: memref<80xi32, #tpu.memory_space<vmem>>, %arg9: memref<80xi32, #tpu.memory_space<vmem>>, %arg10: memref<80xi32, #tpu.memory_space<vmem>>, %arg11: memref<80x128xf32, #tpu.memory_space<vmem>>, %arg12: memref<80x128xf32, #tpu.memory_space<vmem>>, %arg13: memref<10240x128xf32, #tpu.memory_space<vmem_shared>>, %arg14: memref<!tpu.dma_semaphore, #tpu.memory_space<semaphore_mem>>, %arg15: memref<!tpu.dma_semaphore, #tpu.memory_space<semaphore_mem>>, %arg16: memref<!tpu.dma_semaphore, #tpu.memory_space<semaphore_mem>>, %arg17: memref<!tpu.dma_semaphore, #tpu.memory_space<semaphore_mem>>) attributes {dimension_semantics = [#tpu.dimension_semantics<core_parallel>, #tpu.dimension_semantics<subcore_parallel>], iteration_bounds = array<i64: 2, 16>, scalar_prefetch = 0 : i64, scratch_operands = 11 : i64, tpu.core_type = #tpu.core_type<sc_vector_subcore>, window_params = [{transform_indices = #map}, {transform_indices = #map1}, {transform_indices = #map1}, {transform_indices = #map}, {transform_indices = #map2}]} {
    %mul3A = arith.constant 16 : i32
    %mul3A_0 = arith.muli %arg0, %mul3A : i32
    %add3A = arith.addi %mul3A_0, %arg1 : i32
    "tpu.region"() ({
      %run_scoped3A = tpu.sem_alloc : memref<!tpu.dma_semaphore, #tpu.memory_space<semaphore_mem>>
      tpu.enqueue_dma source(%arg5 : memref<80x128xf32, #tpu.memory_space<hbm>>) target(%arg11 : memref<80x128xf32, #tpu.memory_space<vmem>>) target_semaphore(%run_scoped3A : memref<!tpu.dma_semaphore, #tpu.memory_space<semaphore_mem>>)
      tpu.wait_dma2 semaphore(%run_scoped3A : memref<!tpu.dma_semaphore, #tpu.memory_space<semaphore_mem>>) src(%arg5 : memref<80x128xf32, #tpu.memory_space<hbm>>) dst(%arg11 : memref<80x128xf32, #tpu.memory_space<vmem>>)
      tpu.yield
    }) : () -> ()
    %scan3A = arith.constant 0 : i32
    %scan3A_1 = arith.constant 8 : i32
    %scan3A_2 = arith.addi %scan3A, %scan3A_1 : i32
    %scan3A_3 = arith.constant 1 : i32
    scf.for %scan3A_41 = %scan3A to %scan3A_2 step %scan3A_3  : i32 {
      %mul3A_42 = arith.constant 1 : i32
      %mul3A_43 = arith.muli %scan3A_41, %mul3A_42 : i32
      %add3A_44 = arith.constant 0 : i32
      %add3A_45 = arith.addi %add3A_44, %mul3A_43 : i32
      %mul3A_46 = arith.constant 640 : i32
      %mul3A_47 = arith.muli %arg1, %mul3A_46 : i32
      %mul3A_48 = arith.constant 80 : i32
      %mul3A_49 = arith.muli %add3A_45, %mul3A_48 : i32
      %add3A_50 = arith.addi %mul3A_47, %mul3A_49 : i32
      "tpu.region"() ({
        %run_scoped3A = tpu.sem_alloc : memref<!tpu.dma_semaphore, #tpu.memory_space<semaphore_mem>>
        %dma_start3A_51 = arith.constant 0 : i32
        %dma_start3A_52 = tpu.memref_slice %arg13[%add3A_50, %dma_start3A_51] : memref<10240x128xf32, #tpu.memory_space<vmem_shared>> -> memref<80x128xf32, #tpu.memory_space<vmem_shared>>
        %dma_start3A_53 = arith.constant 0 : i32
        %dma_start3A_54 = tpu.memref_slice %arg13[%add3A_50, %dma_start3A_53] : memref<10240x128xf32, #tpu.memory_space<vmem_shared>> -> memref<80x128xf32, #tpu.memory_space<vmem_shared>>
        tpu.enqueue_dma source(%arg11 : memref<80x128xf32, #tpu.memory_space<vmem>>) target(%dma_start3A_54 : memref<80x128xf32, #tpu.memory_space<vmem_shared>>) target_semaphore(%run_scoped3A : memref<!tpu.dma_semaphore, #tpu.memory_space<semaphore_mem>>)
        %dma_wait3A_55 = arith.constant 0 : i32
        %dma_wait3A_56 = tpu.memref_slice %arg13[%add3A_50, %dma_wait3A_55] : memref<10240x128xf32, #tpu.memory_space<vmem_shared>> -> memref<80x128xf32, #tpu.memory_space<vmem_shared>>
        %dma_wait3A_57 = arith.constant 0 : i32
        %dma_wait3A_58 = tpu.memref_slice %arg13[%add3A_50, %dma_wait3A_57] : memref<10240x128xf32, #tpu.memory_space<vmem_shared>> -> memref<80x128xf32, #tpu.memory_space<vmem_shared>>
        tpu.wait_dma2 semaphore(%run_scoped3A : memref<!tpu.dma_semaphore, #tpu.memory_space<semaphore_mem>>) src(%arg11 : memref<80x128xf32, #tpu.memory_space<vmem>>) dst(%dma_wait3A_58 : memref<80x128xf32, #tpu.memory_space<vmem_shared>>)
        tpu.yield
      }) : () -> ()
    }
    %scan3A_4 = arith.constant 8 : i32
    %barrier3A = arith.constant 0 : index
    tpu.barrier barrier_id(%barrier3A)
    %mul3A_5 = arith.constant 10000 : i32
    %mul3A_6 = arith.muli %add3A, %mul3A_5 : i32
    %add3A_7 = arith.constant 0 : i32
    %add3A_8 = arith.addi %mul3A_6, %add3A_7 : i32
    %dma_start3A = tpu.memref_slice %arg3[%add3A_8] : memref<320000xi32, #tpu.memory_space<hbm>> -> memref<80xi32, #tpu.memory_space<hbm>>
    %dma_start3A_9 = tpu.memref_slice %arg3[%add3A_8] : memref<320000xi32, #tpu.memory_space<hbm>> -> memref<80xi32, #tpu.memory_space<hbm>>
    tpu.enqueue_dma source(%dma_start3A_9 : memref<80xi32, #tpu.memory_space<hbm>>) target(%arg7 : memref<80xi32, #tpu.memory_space<vmem>>) target_semaphore(%arg16 : memref<!tpu.dma_semaphore, #tpu.memory_space<semaphore_mem>>)
    %dma_start3A_10 = tpu.memref_slice %arg4[%add3A_8] : memref<320000xi32, #tpu.memory_space<hbm>> -> memref<80xi32, #tpu.memory_space<hbm>>
    %dma_start3A_11 = tpu.memref_slice %arg4[%add3A_8] : memref<320000xi32, #tpu.memory_space<hbm>> -> memref<80xi32, #tpu.memory_space<hbm>>
    tpu.enqueue_dma source(%dma_start3A_11 : memref<80xi32, #tpu.memory_space<hbm>>) target(%arg8 : memref<80xi32, #tpu.memory_space<vmem>>) target_semaphore(%arg16 : memref<!tpu.dma_semaphore, #tpu.memory_space<semaphore_mem>>)
    %mul3A_12 = arith.constant 10000 : i32
    %mul3A_13 = arith.muli %add3A, %mul3A_12 : i32
    %add3A_14 = arith.constant 80 : i32
    %add3A_15 = arith.addi %mul3A_13, %add3A_14 : i32
    %dma_start3A_16 = tpu.memref_slice %arg3[%add3A_15] : memref<320000xi32, #tpu.memory_space<hbm>> -> memref<80xi32, #tpu.memory_space<hbm>>
    %dma_start3A_17 = tpu.memref_slice %arg3[%add3A_15] : memref<320000xi32, #tpu.memory_space<hbm>> -> memref<80xi32, #tpu.memory_space<hbm>>
    tpu.enqueue_dma source(%dma_start3A_17 : memref<80xi32, #tpu.memory_space<hbm>>) target(%arg9 : memref<80xi32, #tpu.memory_space<vmem>>) target_semaphore(%arg17 : memref<!tpu.dma_semaphore, #tpu.memory_space<semaphore_mem>>)
    %dma_start3A_18 = tpu.memref_slice %arg4[%add3A_15] : memref<320000xi32, #tpu.memory_space<hbm>> -> memref<80xi32, #tpu.memory_space<hbm>>
    %dma_start3A_19 = tpu.memref_slice %arg4[%add3A_15] : memref<320000xi32, #tpu.memory_space<hbm>> -> memref<80xi32, #tpu.memory_space<hbm>>
    tpu.enqueue_dma source(%dma_start3A_19 : memref<80xi32, #tpu.memory_space<hbm>>) target(%arg10 : memref<80xi32, #tpu.memory_space<vmem>>) target_semaphore(%arg17 : memref<!tpu.dma_semaphore, #tpu.memory_space<semaphore_mem>>)
    %mul3A_20 = arith.constant 10000 : i32
    %mul3A_21 = arith.muli %add3A, %mul3A_20 : i32
    %dma_wait3A = tpu.memref_slice %arg3[%mul3A_21] : memref<320000xi32, #tpu.memory_space<hbm>> -> memref<80xi32, #tpu.memory_space<hbm>>
    %dma_wait3A_22 = tpu.memref_slice %arg3[%mul3A_21] : memref<320000xi32, #tpu.memory_space<hbm>> -> memref<80xi32, #tpu.memory_space<hbm>>
    tpu.wait_dma2 semaphore(%arg16 : memref<!tpu.dma_semaphore, #tpu.memory_space<semaphore_mem>>) src(%dma_wait3A_22 : memref<80xi32, #tpu.memory_space<hbm>>) dst(%arg7 : memref<80xi32, #tpu.memory_space<vmem>>)
    %dma_wait3A_23 = tpu.memref_slice %arg4[%mul3A_21] : memref<320000xi32, #tpu.memory_space<hbm>> -> memref<80xi32, #tpu.memory_space<hbm>>
    %dma_wait3A_24 = tpu.memref_slice %arg4[%mul3A_21] : memref<320000xi32, #tpu.memory_space<hbm>> -> memref<80xi32, #tpu.memory_space<hbm>>
    tpu.wait_dma2 semaphore(%arg16 : memref<!tpu.dma_semaphore, #tpu.memory_space<semaphore_mem>>) src(%dma_wait3A_24 : memref<80xi32, #tpu.memory_space<hbm>>) dst(%arg8 : memref<80xi32, #tpu.memory_space<vmem>>)
    %dma_start3A_25 = arith.constant 0 : i32
    %dma_start3A_26 = arith.constant 0 : i32
    %dma_start3A_27 = tpu.memref_slice %arg2[%dma_start3A_25, %dma_start3A_26] : memref<10000x128xf32, #tpu.memory_space<hbm>> -> memref<10000x128xf32, #tpu.memory_space<hbm>>
    tpu.enqueue_indirect_dma source(%dma_start3A_27 : memref<10000x128xf32, #tpu.memory_space<hbm>>) target(%arg11 : memref<80x128xf32, #tpu.memory_space<vmem>>) offsets(%arg7 : memref<80xi32, #tpu.memory_space<vmem>>) semaphore(%arg14 : memref<!tpu.dma_semaphore, #tpu.memory_space<semaphore_mem>>)
    %scan3A_28 = arith.constant 0 : i32
    %scan3A_29 = arith.constant 62 : i32
    %scan3A_30 = arith.addi %scan3A_28, %scan3A_29 : i32
    %scan3A_31 = arith.constant 1 : i32
    scf.for %scan3A_41 = %scan3A_28 to %scan3A_30 step %scan3A_31  : i32 {
      %mul3A_42 = arith.constant 2 : i32
      %mul3A_43 = arith.muli %scan3A_41, %mul3A_42 : i32
      %add3A_44 = arith.constant 0 : i32
      %add3A_45 = arith.addi %add3A_44, %mul3A_43 : i32
      %mul3A_46 = arith.constant 10000 : i32
      %mul3A_47 = arith.muli %add3A, %mul3A_46 : i32
      %dma_wait3A_48 = tpu.memref_slice %arg3[%mul3A_47] : memref<320000xi32, #tpu.memory_space<hbm>> -> memref<80xi32, #tpu.memory_space<hbm>>
      %dma_wait3A_49 = tpu.memref_slice %arg3[%mul3A_47] : memref<320000xi32, #tpu.memory_space<hbm>> -> memref<80xi32, #tpu.memory_space<hbm>>
      tpu.wait_dma2 semaphore(%arg17 : memref<!tpu.dma_semaphore, #tpu.memory_space<semaphore_mem>>) src(%dma_wait3A_49 : memref<80xi32, #tpu.memory_space<hbm>>) dst(%arg9 : memref<80xi32, #tpu.memory_space<vmem>>)
      %dma_wait3A_50 = tpu.memref_slice %arg4[%mul3A_47] : memref<320000xi32, #tpu.memory_space<hbm>> -> memref<80xi32, #tpu.memory_space<hbm>>
      %dma_wait3A_51 = tpu.memref_slice %arg4[%mul3A_47] : memref<320000xi32, #tpu.memory_space<hbm>> -> memref<80xi32, #tpu.memory_space<hbm>>
      tpu.wait_dma2 semaphore(%arg17 : memref<!tpu.dma_semaphore, #tpu.memory_space<semaphore_mem>>) src(%dma_wait3A_51 : memref<80xi32, #tpu.memory_space<hbm>>) dst(%arg10 : memref<80xi32, #tpu.memory_space<vmem>>)
      %dma_start3A_52 = arith.constant 0 : i32
      %dma_start3A_53 = arith.constant 0 : i32
      %dma_start3A_54 = tpu.memref_slice %arg2[%dma_start3A_52, %dma_start3A_53] : memref<10000x128xf32, #tpu.memory_space<hbm>> -> memref<10000x128xf32, #tpu.memory_space<hbm>>
      tpu.enqueue_indirect_dma source(%dma_start3A_54 : memref<10000x128xf32, #tpu.memory_space<hbm>>) target(%arg12 : memref<80x128xf32, #tpu.memory_space<vmem>>) offsets(%arg9 : memref<80xi32, #tpu.memory_space<vmem>>) semaphore(%arg15 : memref<!tpu.dma_semaphore, #tpu.memory_space<semaphore_mem>>)
      %dma_wait3A_55 = arith.constant 0 : i32
      %dma_wait3A_56 = arith.constant 0 : i32
      %dma_wait3A_57 = tpu.memref_slice %arg2[%dma_wait3A_55, %dma_wait3A_56] : memref<10000x128xf32, #tpu.memory_space<hbm>> -> memref<10000x128xf32, #tpu.memory_space<hbm>>
      tpu.wait_indirect_dma semaphore(%arg14 : memref<!tpu.dma_semaphore, #tpu.memory_space<semaphore_mem>>) src(%dma_wait3A_57 : memref<10000x128xf32, #tpu.memory_space<hbm>>) dst(%arg11 : memref<80x128xf32, #tpu.memory_space<vmem>>)
      "tpu.region"() ({
        %run_scoped3A = tpu.sem_alloc : memref<!tpu.dma_semaphore, #tpu.memory_space<semaphore_mem>>
        %dma_start3A_85 = arith.constant 0 : i32
        %dma_start3A_86 = arith.constant 0 : i32
        %dma_start3A_87 = tpu.memref_slice %arg13[%dma_start3A_85, %dma_start3A_86] : memref<10240x128xf32, #tpu.memory_space<vmem_shared>> -> memref<10240x128xf32, #tpu.memory_space<vmem_shared>>
        tpu.enqueue_indirect_dma source(%arg11 : memref<80x128xf32, #tpu.memory_space<vmem>>) target(%dma_start3A_87 : memref<10240x128xf32, #tpu.memory_space<vmem_shared>>) offsets(%arg8 : memref<80xi32, #tpu.memory_space<vmem>>) semaphore(%run_scoped3A : memref<!tpu.dma_semaphore, #tpu.memory_space<semaphore_mem>>) {add = true}
        %dma_wait3A_88 = arith.constant 0 : i32
        %dma_wait3A_89 = arith.constant 0 : i32
        %dma_wait3A_90 = tpu.memref_slice %arg13[%dma_wait3A_88, %dma_wait3A_89] : memref<10240x128xf32, #tpu.memory_space<vmem_shared>> -> memref<10240x128xf32, #tpu.memory_space<vmem_shared>>
        tpu.wait_indirect_dma semaphore(%run_scoped3A : memref<!tpu.dma_semaphore, #tpu.memory_space<semaphore_mem>>) src(%arg11 : memref<80x128xf32, #tpu.memory_space<vmem>>) dst(%dma_wait3A_90 : memref<10240x128xf32, #tpu.memory_space<vmem_shared>>)
        tpu.yield
      }) : () -> ()
      %add3A_58 = arith.constant 2 : i32
      %add3A_59 = arith.addi %add3A_45, %add3A_58 : i32
      %mul3A_60 = arith.constant 10000 : i32
      %mul3A_61 = arith.muli %add3A, %mul3A_60 : i32
      %mul3A_62 = arith.constant 80 : i32
      %mul3A_63 = arith.muli %add3A_59, %mul3A_62 : i32
      %add3A_64 = arith.addi %mul3A_61, %mul3A_63 : i32
      %dma_start3A_65 = tpu.memref_slice %arg3[%add3A_64] : memref<320000xi32, #tpu.memory_space<hbm>> -> memref<80xi32, #tpu.memory_space<hbm>>
      %dma_start3A_66 = tpu.memref_slice %arg3[%add3A_64] : memref<320000xi32, #tpu.memory_space<hbm>> -> memref<80xi32, #tpu.memory_space<hbm>>
      tpu.enqueue_dma source(%dma_start3A_66 : memref<80xi32, #tpu.memory_space<hbm>>) target(%arg7 : memref<80xi32, #tpu.memory_space<vmem>>) target_semaphore(%arg16 : memref<!tpu.dma_semaphore, #tpu.memory_space<semaphore_mem>>)
      %dma_start3A_67 = tpu.memref_slice %arg4[%add3A_64] : memref<320000xi32, #tpu.memory_space<hbm>> -> memref<80xi32, #tpu.memory_space<hbm>>
      %dma_start3A_68 = tpu.memref_slice %arg4[%add3A_64] : memref<320000xi32, #tpu.memory_space<hbm>> -> memref<80xi32, #tpu.memory_space<hbm>>
      tpu.enqueue_dma source(%dma_start3A_68 : memref<80xi32, #tpu.memory_space<hbm>>) target(%arg8 : memref<80xi32, #tpu.memory_space<vmem>>) target_semaphore(%arg16 : memref<!tpu.dma_semaphore, #tpu.memory_space<semaphore_mem>>)
      %mul3A_69 = arith.constant 10000 : i32
      %mul3A_70 = arith.muli %add3A, %mul3A_69 : i32
      %dma_wait3A_71 = tpu.memref_slice %arg3[%mul3A_70] : memref<320000xi32, #tpu.memory_space<hbm>> -> memref<80xi32, #tpu.memory_space<hbm>>
      %dma_wait3A_72 = tpu.memref_slice %arg3[%mul3A_70] : memref<320000xi32, #tpu.memory_space<hbm>> -> memref<80xi32, #tpu.memory_space<hbm>>
      tpu.wait_dma2 semaphore(%arg16 : memref<!tpu.dma_semaphore, #tpu.memory_space<semaphore_mem>>) src(%dma_wait3A_72 : memref<80xi32, #tpu.memory_space<hbm>>) dst(%arg7 : memref<80xi32, #tpu.memory_space<vmem>>)
      %dma_wait3A_73 = tpu.memref_slice %arg4[%mul3A_70] : memref<320000xi32, #tpu.memory_space<hbm>> -> memref<80xi32, #tpu.memory_space<hbm>>
      %dma_wait3A_74 = tpu.memref_slice %arg4[%mul3A_70] : memref<320000xi32, #tpu.memory_space<hbm>> -> memref<80xi32, #tpu.memory_space<hbm>>
      tpu.wait_dma2 semaphore(%arg16 : memref<!tpu.dma_semaphore, #tpu.memory_space<semaphore_mem>>) src(%dma_wait3A_74 : memref<80xi32, #tpu.memory_space<hbm>>) dst(%arg8 : memref<80xi32, #tpu.memory_space<vmem>>)
      %dma_start3A_75 = arith.constant 0 : i32
      %dma_start3A_76 = arith.constant 0 : i32
      %dma_start3A_77 = tpu.memref_slice %arg2[%dma_start3A_75, %dma_start3A_76] : memref<10000x128xf32, #tpu.memory_space<hbm>> -> memref<10000x128xf32, #tpu.memory_space<hbm>>
      tpu.enqueue_indirect_dma source(%dma_start3A_77 : memref<10000x128xf32, #tpu.memory_space<hbm>>) target(%arg11 : memref<80x128xf32, #tpu.memory_space<vmem>>) offsets(%arg7 : memref<80xi32, #tpu.memory_space<vmem>>) semaphore(%arg14 : memref<!tpu.dma_semaphore, #tpu.memory_space<semaphore_mem>>)
      %dma_wait3A_78 = arith.constant 0 : i32
      %dma_wait3A_79 = arith.constant 0 : i32
      %dma_wait3A_80 = tpu.memref_slice %arg2[%dma_wait3A_78, %dma_wait3A_79] : memref<10000x128xf32, #tpu.memory_space<hbm>> -> memref<10000x128xf32, #tpu.memory_space<hbm>>
      tpu.wait_indirect_dma semaphore(%arg15 : memref<!tpu.dma_semaphore, #tpu.memory_space<semaphore_mem>>) src(%dma_wait3A_80 : memref<10000x128xf32, #tpu.memory_space<hbm>>) dst(%arg12 : memref<80x128xf32, #tpu.memory_space<vmem>>)
      "tpu.region"() ({
        %run_scoped3A = tpu.sem_alloc : memref<!tpu.dma_semaphore, #tpu.memory_space<semaphore_mem>>
        %dma_start3A_85 = arith.constant 0 : i32
        %dma_start3A_86 = arith.constant 0 : i32
        %dma_start3A_87 = tpu.memref_slice %arg13[%dma_start3A_85, %dma_start3A_86] : memref<10240x128xf32, #tpu.memory_space<vmem_shared>> -> memref<10240x128xf32, #tpu.memory_space<vmem_shared>>
        tpu.enqueue_indirect_dma source(%arg12 : memref<80x128xf32, #tpu.memory_space<vmem>>) target(%dma_start3A_87 : memref<10240x128xf32, #tpu.memory_space<vmem_shared>>) offsets(%arg10 : memref<80xi32, #tpu.memory_space<vmem>>) semaphore(%run_scoped3A : memref<!tpu.dma_semaphore, #tpu.memory_space<semaphore_mem>>) {add = true}
        %dma_wait3A_88 = arith.constant 0 : i32
        %dma_wait3A_89 = arith.constant 0 : i32
        %dma_wait3A_90 = tpu.memref_slice %arg13[%dma_wait3A_88, %dma_wait3A_89] : memref<10240x128xf32, #tpu.memory_space<vmem_shared>> -> memref<10240x128xf32, #tpu.memory_space<vmem_shared>>
        tpu.wait_indirect_dma semaphore(%run_scoped3A : memref<!tpu.dma_semaphore, #tpu.memory_space<semaphore_mem>>) src(%arg12 : memref<80x128xf32, #tpu.memory_space<vmem>>) dst(%dma_wait3A_90 : memref<10240x128xf32, #tpu.memory_space<vmem_shared>>)
        tpu.yield
      }) : () -> ()
      %add3A_81 = arith.constant 3 : i32
      %add3A_82 = arith.addi %add3A_45, %add3A_81 : i32
      %lt3A = arith.constant 125 : i32
      %lt3A_83 = arith.cmpi slt, %add3A_82, %lt3A : i32
      %convert_element_type3A = arith.extui %lt3A_83 : i1 to i32
      %cond3A = arith.constant 0 : i32
      %cond3A_84 = arith.cmpi ne, %convert_element_type3A, %cond3A : i32
      scf.if %cond3A_84 {
        %add3A_85 = arith.constant 3 : i32
        %add3A_86 = arith.addi %add3A_45, %add3A_85 : i32
        %mul3A_87 = arith.constant 10000 : i32
        %mul3A_88 = arith.muli %add3A, %mul3A_87 : i32
        %mul3A_89 = arith.constant 80 : i32
        %mul3A_90 = arith.muli %add3A_86, %mul3A_89 : i32
        %add3A_91 = arith.addi %mul3A_88, %mul3A_90 : i32
        %dma_start3A_92 = tpu.memref_slice %arg3[%add3A_91] : memref<320000xi32, #tpu.memory_space<hbm>> -> memref<80xi32, #tpu.memory_space<hbm>>
        %dma_start3A_93 = tpu.memref_slice %arg3[%add3A_91] : memref<320000xi32, #tpu.memory_space<hbm>> -> memref<80xi32, #tpu.memory_space<hbm>>
        tpu.enqueue_dma source(%dma_start3A_93 : memref<80xi32, #tpu.memory_space<hbm>>) target(%arg9 : memref<80xi32, #tpu.memory_space<vmem>>) target_semaphore(%arg17 : memref<!tpu.dma_semaphore, #tpu.memory_space<semaphore_mem>>)
        %dma_start3A_94 = tpu.memref_slice %arg4[%add3A_91] : memref<320000xi32, #tpu.memory_space<hbm>> -> memref<80xi32, #tpu.memory_space<hbm>>
        %dma_start3A_95 = tpu.memref_slice %arg4[%add3A_91] : memref<320000xi32, #tpu.memory_space<hbm>> -> memref<80xi32, #tpu.memory_space<hbm>>
        tpu.enqueue_dma source(%dma_start3A_95 : memref<80xi32, #tpu.memory_space<hbm>>) target(%arg10 : memref<80xi32, #tpu.memory_space<vmem>>) target_semaphore(%arg17 : memref<!tpu.dma_semaphore, #tpu.memory_space<semaphore_mem>>)
      } else {
      }
    }
    %scan3A_32 = arith.constant 62 : i32
    %dma_wait3A_33 = arith.constant 0 : i32
    %dma_wait3A_34 = arith.constant 0 : i32
    %dma_wait3A_35 = tpu.memref_slice %arg2[%dma_wait3A_33, %dma_wait3A_34] : memref<10000x128xf32, #tpu.memory_space<hbm>> -> memref<10000x128xf32, #tpu.memory_space<hbm>>
    tpu.wait_indirect_dma semaphore(%arg14 : memref<!tpu.dma_semaphore, #tpu.memory_space<semaphore_mem>>) src(%dma_wait3A_35 : memref<10000x128xf32, #tpu.memory_space<hbm>>) dst(%arg11 : memref<80x128xf32, #tpu.memory_space<vmem>>)
    "tpu.region"() ({
      %run_scoped3A = tpu.sem_alloc : memref<!tpu.dma_semaphore, #tpu.memory_space<semaphore_mem>>
      %dma_start3A_41 = arith.constant 0 : i32
      %dma_start3A_42 = arith.constant 0 : i32
      %dma_start3A_43 = tpu.memref_slice %arg13[%dma_start3A_41, %dma_start3A_42] : memref<10240x128xf32, #tpu.memory_space<vmem_shared>> -> memref<10240x128xf32, #tpu.memory_space<vmem_shared>>
      tpu.enqueue_indirect_dma source(%arg11 : memref<80x128xf32, #tpu.memory_space<vmem>>) target(%dma_start3A_43 : memref<10240x128xf32, #tpu.memory_space<vmem_shared>>) offsets(%arg8 : memref<80xi32, #tpu.memory_space<vmem>>) semaphore(%run_scoped3A : memref<!tpu.dma_semaphore, #tpu.memory_space<semaphore_mem>>) {add = true}
      %dma_wait3A_44 = arith.constant 0 : i32
      %dma_wait3A_45 = arith.constant 0 : i32
      %dma_wait3A_46 = tpu.memref_slice %arg13[%dma_wait3A_44, %dma_wait3A_45] : memref<10240x128xf32, #tpu.memory_space<vmem_shared>> -> memref<10240x128xf32, #tpu.memory_space<vmem_shared>>
      tpu.wait_indirect_dma semaphore(%run_scoped3A : memref<!tpu.dma_semaphore, #tpu.memory_space<semaphore_mem>>) src(%arg11 : memref<80x128xf32, #tpu.memory_space<vmem>>) dst(%dma_wait3A_46 : memref<10240x128xf32, #tpu.memory_space<vmem_shared>>)
      tpu.yield
    }) : () -> ()
    %barrier3A_36 = arith.constant 0 : index
    tpu.barrier barrier_id(%barrier3A_36)
    %mul3A_37 = arith.constant 640 : i32
    %mul3A_38 = arith.muli %arg1, %mul3A_37 : i32
    %mul3A_39 = arith.constant 640 : i32
    %mul3A_40 = arith.muli %arg1, %mul3A_39 : i32
    "tpu.region"() ({
      %run_scoped3A = tpu.sem_alloc : memref<!tpu.dma_semaphore, #tpu.memory_space<semaphore_mem>>
      %dma_start3A_41 = arith.constant 0 : i32
      %dma_start3A_42 = tpu.memref_slice %arg6[%arg0, %mul3A_40, %dma_start3A_41] : memref<2x10240x128xf32, #tpu.memory_space<hbm>> -> memref<1x640x128xf32, #tpu.memory_space<hbm>>
      %dma_start3A_43 = tpu.memref_squeeze %dma_start3A_42 : memref<1x640x128xf32, #tpu.memory_space<hbm>> -> memref<640x128xf32, #tpu.memory_space<hbm>>
      %dma_start3A_44 = arith.constant 0 : i32
      %dma_start3A_45 = tpu.memref_slice %arg13[%mul3A_38, %dma_start3A_44] : memref<10240x128xf32, #tpu.memory_space<vmem_shared>> -> memref<640x128xf32, #tpu.memory_space<vmem_shared>>
      tpu.enqueue_dma source(%dma_start3A_45 : memref<640x128xf32, #tpu.memory_space<vmem_shared>>) target(%dma_start3A_43 : memref<640x128xf32, #tpu.memory_space<hbm>>) target_semaphore(%run_scoped3A : memref<!tpu.dma_semaphore, #tpu.memory_space<semaphore_mem>>)
      %dma_wait3A_46 = arith.constant 0 : i32
      %dma_wait3A_47 = tpu.memref_slice %arg6[%arg0, %mul3A_40, %dma_wait3A_46] : memref<2x10240x128xf32, #tpu.memory_space<hbm>> -> memref<1x640x128xf32, #tpu.memory_space<hbm>>
      %dma_wait3A_48 = tpu.memref_squeeze %dma_wait3A_47 : memref<1x640x128xf32, #tpu.memory_space<hbm>> -> memref<640x128xf32, #tpu.memory_space<hbm>>
      %dma_wait3A_49 = arith.constant 0 : i32
      %dma_wait3A_50 = tpu.memref_slice %arg13[%mul3A_38, %dma_wait3A_49] : memref<10240x128xf32, #tpu.memory_space<vmem_shared>> -> memref<640x128xf32, #tpu.memory_space<vmem_shared>>
      tpu.wait_dma2 semaphore(%run_scoped3A : memref<!tpu.dma_semaphore, #tpu.memory_space<semaphore_mem>>) src(%dma_wait3A_50 : memref<640x128xf32, #tpu.memory_space<vmem_shared>>) dst(%dma_wait3A_48 : memref<640x128xf32, #tpu.memory_space<hbm>>)
      tpu.yield
    }) : () -> ()
    return
  }
}

module attributes {stable_mosaic.version = 14 : i64} {
  func.func @body(%arg0: i32, %arg1: memref<1000x1xi32, #tpu.memory_space<vmem>>, %arg2: memref<128x128xf32, #tpu.memory_space<vmem>>, %arg3: memref<128x128xf32, #tpu.memory_space<vmem>>, %arg4: memref<1x128xf32, #tpu.memory_space<vmem>>, %arg5: memref<128x128xf32, #tpu.memory_space<vmem>>, %arg6: memref<1x128xf32, #tpu.memory_space<vmem>>, %arg7: memref<1000x128xf32, #tpu.memory_space<vmem>>) attributes {dimension_semantics = [#tpu.dimension_semantics<arbitrary>], iteration_bounds = array<i64: 10>, scalar_prefetch = 0 : i64, scratch_operands = 0 : i64, tpu.core_type = #tpu.core_type<tc>, window_params = [{transform_indices = @transform_0, window_bounds = array<i64: 1000, 1>}, {pipeline_mode = #tpu.pipeline_mode<synchronous>, transform_indices = @transform_1, window_bounds = array<i64: 128, 128>}, {pipeline_mode = #tpu.pipeline_mode<synchronous>, transform_indices = @transform_2, window_bounds = array<i64: 128, 128>}, {pipeline_mode = #tpu.pipeline_mode<synchronous>, transform_indices = @transform_3, window_bounds = array<i64: 1, 128>}, {pipeline_mode = #tpu.pipeline_mode<synchronous>, transform_indices = @transform_4, window_bounds = array<i64: 128, 128>}, {pipeline_mode = #tpu.pipeline_mode<synchronous>, transform_indices = @transform_5, window_bounds = array<i64: 1, 128>}, {transform_indices = @transform_6, window_bounds = array<i64: 1000, 128>}]} {
    %get3A = arith.constant 0 : index
    %get3A_0 = arith.constant 0 : index
    %get3A_1 = vector.load %arg1[%get3A, %get3A_0] : memref<1000x1xi32, #tpu.memory_space<vmem>>, vector<1000x1xi32>
    %iota3A = tpu.iota {dimensions = array<i32: 1>} : vector<1000x128xi32>
    %eq3A = vector.broadcast %get3A_1 : vector<1000x1xi32> to vector<1000x128xi32>
    %eq3A_2 = arith.cmpi eq, %iota3A, %eq3A : vector<1000x128xi32>
    %convert_element_type3A = arith.extui %eq3A_2 : vector<1000x128xi1> to vector<1000x128xi32>
    %convert_element_type3A_3 = arith.sitofp %convert_element_type3A : vector<1000x128xi32> to vector<1000x128xf32>
    %get3A_4 = arith.constant 0 : index
    %get3A_5 = arith.constant 0 : index
    %get3A_6 = vector.load %arg2[%get3A_4, %get3A_5] : memref<128x128xf32, #tpu.memory_space<vmem>>, vector<128x128xf32>
    %dot_general3A = arith.constant dense<0.000000e+00> : vector<1000x128xf32>
    %dot_general3A_7 = tpu.matmul %convert_element_type3A_3, %get3A_6, %dot_general3A {dimension_numbers = #tpu.dot_dimension_numbers<[1], [0], [0], [1], [0, 0, 1, 1], [], []>, transpose_lhs_hint = false} : vector<1000x128xf32>, vector<128x128xf32>, vector<1000x128xf32> -> vector<1000x128xf32>
    %get3A_8 = arith.constant 0 : index
    %get3A_9 = arith.constant 0 : index
    %get3A_10 = vector.load %arg3[%get3A_8, %get3A_9] : memref<128x128xf32, #tpu.memory_space<vmem>>, vector<128x128xf32>
    %dot_general3A_11 = arith.constant dense<0.000000e+00> : vector<1000x128xf32>
    %dot_general3A_12 = tpu.matmul %dot_general3A_7, %get3A_10, %dot_general3A_11 {dimension_numbers = #tpu.dot_dimension_numbers<[1], [0], [0], [1], [0, 0, 1, 1], [], []>, transpose_lhs_hint = false} : vector<1000x128xf32>, vector<128x128xf32>, vector<1000x128xf32> -> vector<1000x128xf32>
    %get3A_13 = arith.constant 0 : index
    %get3A_14 = arith.constant 0 : index
    %get3A_15 = vector.load %arg4[%get3A_13, %get3A_14] : memref<1x128xf32, #tpu.memory_space<vmem>>, vector<1x128xf32>
    %add3A = vector.broadcast %get3A_15 : vector<1x128xf32> to vector<1000x128xf32>
    %add3A_16 = arith.addf %dot_general3A_12, %add3A : vector<1000x128xf32>
    %max3A = arith.constant 0.000000e+00 : f32
    %max3A_17 = vector.broadcast %max3A : f32 to vector<1000x128xf32>
    %max3A_18 = arith.maximumf %add3A_16, %max3A_17 : vector<1000x128xf32>
    %get3A_19 = arith.constant 0 : index
    %get3A_20 = arith.constant 0 : index
    %get3A_21 = vector.load %arg5[%get3A_19, %get3A_20] : memref<128x128xf32, #tpu.memory_space<vmem>>, vector<128x128xf32>
    %dot_general3A_22 = arith.constant dense<0.000000e+00> : vector<1000x128xf32>
    %dot_general3A_23 = tpu.matmul %max3A_18, %get3A_21, %dot_general3A_22 {dimension_numbers = #tpu.dot_dimension_numbers<[1], [0], [0], [1], [0, 0, 1, 1], [], []>, transpose_lhs_hint = false} : vector<1000x128xf32>, vector<128x128xf32>, vector<1000x128xf32> -> vector<1000x128xf32>
    %get3A_24 = arith.constant 0 : index
    %get3A_25 = arith.constant 0 : index
    %get3A_26 = vector.load %arg6[%get3A_24, %get3A_25] : memref<1x128xf32, #tpu.memory_space<vmem>>, vector<1x128xf32>
    %add3A_27 = vector.broadcast %get3A_26 : vector<1x128xf32> to vector<1000x128xf32>
    %add3A_28 = arith.addf %dot_general3A_23, %add3A_27 : vector<1000x128xf32>
    %max3A_29 = arith.constant 0.000000e+00 : f32
    %max3A_30 = vector.broadcast %max3A_29 : f32 to vector<1000x128xf32>
    %max3A_31 = arith.maximumf %add3A_28, %max3A_30 : vector<1000x128xf32>
    %swap3A = arith.constant 0 : index
    %swap3A_32 = arith.constant 0 : index
    %swap3A_33 = vector.load %arg7[%swap3A, %swap3A_32] : memref<1000x128xf32, #tpu.memory_space<vmem>>, vector<1000x128xf32>
    tpu.vector_store %arg7[%swap3A, %swap3A_32], %max3A_31 {strides = array<i32>} : memref<1000x128xf32, #tpu.memory_space<vmem>>, vector<1000x128xf32>,
    return
  }
  func.func @transform_0(%arg0: i32) -> (i32, i32) {
    %c0_i32 = arith.constant 0 : i32
    %c0_i32_0 = arith.constant 0 : i32
    return %arg0, %c0_i32 : i32, i32
  }
  func.func @transform_1(%arg0: i32) -> (i32, i32) {
    %c0_i32 = arith.constant 0 : i32
    %c0_i32_0 = arith.constant 0 : i32
    %c0_i32_1 = arith.constant 0 : i32
    return %c0_i32, %c0_i32_0 : i32, i32
  }
  func.func @transform_2(%arg0: i32) -> (i32, i32) {
    %c0_i32 = arith.constant 0 : i32
    %c0_i32_0 = arith.constant 0 : i32
    %c0_i32_1 = arith.constant 0 : i32
    return %c0_i32, %c0_i32_0 : i32, i32
  }
  func.func @transform_3(%arg0: i32) -> (i32, i32) {
    %c0_i32 = arith.constant 0 : i32
    %c0_i32_0 = arith.constant 0 : i32
    %c0_i32_1 = arith.constant 0 : i32
    return %c0_i32, %c0_i32_0 : i32, i32
  }
  func.func @transform_4(%arg0: i32) -> (i32, i32) {
    %c0_i32 = arith.constant 0 : i32
    %c0_i32_0 = arith.constant 0 : i32
    %c0_i32_1 = arith.constant 0 : i32
    return %c0_i32, %c0_i32_0 : i32, i32
  }
  func.func @transform_5(%arg0: i32) -> (i32, i32) {
    %c0_i32 = arith.constant 0 : i32
    %c0_i32_0 = arith.constant 0 : i32
    %c0_i32_1 = arith.constant 0 : i32
    return %c0_i32, %c0_i32_0 : i32, i32
  }
  func.func @transform_6(%arg0: i32) -> (i32, i32) {
    %c0_i32 = arith.constant 0 : i32
    %c0_i32_0 = arith.constant 0 : i32
    return %arg0, %c0_i32 : i32, i32
  }
}

module attributes {stable_mosaic.version = 14 : i64} {
  func.func @body(%arg0: i32, %arg1: memref<2x2x1000x128xf32, #tpu.memory_space<vmem>>, %arg2: memref<1000x128xf32, #tpu.memory_space<vmem>>, %arg3: memref<1000x2xf32, #tpu.memory_space<vmem>>, %arg4: memref<1000x128xf32, #tpu.memory_space<vmem>>) attributes {dimension_semantics = [#tpu.dimension_semantics<arbitrary>], iteration_bounds = array<i64: 10>, scalar_prefetch = 0 : i64, scratch_operands = 0 : i64, tpu.core_type = #tpu.core_type<tc>, window_params = [{transform_indices = @transform_0, window_bounds = array<i64: 2, 2, 1000, 128>}, {transform_indices = @transform_1, window_bounds = array<i64: 1000, 128>}, {transform_indices = @transform_2, window_bounds = array<i64: 1000, 2>}, {transform_indices = @transform_3, window_bounds = array<i64: 1000, 128>}]} {
    %get3A = arith.constant 0 : index
    %get3A_0 = arith.constant 0 : index
    %get3A_1 = arith.constant 0 : index
    %get3A_2 = arith.constant 0 : index
    %get3A_3 = vector.load %arg1[%get3A, %get3A_0, %get3A_1, %get3A_2] : memref<2x2x1000x128xf32, #tpu.memory_space<vmem>>, vector<1x1x1000x1xf32>
    %get3A_4 = vector.shape_cast %get3A_3 : vector<1x1x1000x1xf32> to vector<1000x1xf32>
    %get3A_5 = arith.constant 1 : index
    %get3A_6 = arith.constant 0 : index
    %get3A_7 = arith.constant 0 : index
    %get3A_8 = arith.constant 0 : index
    %get3A_9 = vector.load %arg1[%get3A_5, %get3A_6, %get3A_7, %get3A_8] : memref<2x2x1000x128xf32, #tpu.memory_space<vmem>>, vector<1x1x1000x1xf32>
    %get3A_10 = vector.shape_cast %get3A_9 : vector<1x1x1000x1xf32> to vector<1000x1xf32>
    %add3A = arith.addf %get3A_4, %get3A_10 : vector<1000x1xf32>
    %get3A_11 = arith.constant 0 : index
    %get3A_12 = arith.constant 1 : index
    %get3A_13 = arith.constant 0 : index
    %get3A_14 = arith.constant 0 : index
    %get3A_15 = vector.load %arg1[%get3A_11, %get3A_12, %get3A_13, %get3A_14] : memref<2x2x1000x128xf32, #tpu.memory_space<vmem>>, vector<1x1x1000x1xf32>
    %get3A_16 = vector.shape_cast %get3A_15 : vector<1x1x1000x1xf32> to vector<1000x1xf32>
    %get3A_17 = arith.constant 1 : index
    %get3A_18 = arith.constant 1 : index
    %get3A_19 = arith.constant 0 : index
    %get3A_20 = arith.constant 0 : index
    %get3A_21 = vector.load %arg1[%get3A_17, %get3A_18, %get3A_19, %get3A_20] : memref<2x2x1000x128xf32, #tpu.memory_space<vmem>>, vector<1x1x1000x1xf32>
    %get3A_22 = vector.shape_cast %get3A_21 : vector<1x1x1000x1xf32> to vector<1000x1xf32>
    %add3A_23 = arith.addf %get3A_16, %get3A_22 : vector<1000x1xf32>
    %max3A = arith.constant 1.000000e+00 : f32
    %max3A_24 = vector.broadcast %max3A : f32 to vector<1000x1xf32>
    %max3A_25 = arith.maximumf %add3A, %max3A_24 : vector<1000x1xf32>
    %rsqrt3A = math.rsqrt %max3A_25 : vector<1000x1xf32>
    %max3A_26 = arith.constant 1.000000e+00 : f32
    %max3A_27 = vector.broadcast %max3A_26 : f32 to vector<1000x1xf32>
    %max3A_28 = arith.maximumf %add3A_23, %max3A_27 : vector<1000x1xf32>
    %rsqrt3A_29 = math.rsqrt %max3A_28 : vector<1000x1xf32>
    %swap3A = arith.constant 0 : index
    %swap3A_30 = arith.constant 0 : index
    %swap3A_31 = vector.load %arg3[%swap3A, %swap3A_30] : memref<1000x2xf32, #tpu.memory_space<vmem>>, vector<1000x1xf32>
    tpu.vector_store %arg3[%swap3A, %swap3A_30], %rsqrt3A {strides = array<i32>} : memref<1000x2xf32, #tpu.memory_space<vmem>>, vector<1000x1xf32>,
    %swap3A_32 = arith.constant 0 : index
    %swap3A_33 = arith.constant 1 : index
    %swap3A_34 = vector.load %arg3[%swap3A_32, %swap3A_33] : memref<1000x2xf32, #tpu.memory_space<vmem>>, vector<1000x1xf32>
    tpu.vector_store %arg3[%swap3A_32, %swap3A_33], %rsqrt3A_29 {strides = array<i32>} : memref<1000x2xf32, #tpu.memory_space<vmem>>, vector<1000x1xf32>,
    %get3A_35 = arith.constant 0 : index
    %get3A_36 = arith.constant 0 : index
    %get3A_37 = vector.load %arg2[%get3A_35, %get3A_36] : memref<1000x128xf32, #tpu.memory_space<vmem>>, vector<1000x128xf32>
    %mul3A = vector.broadcast %rsqrt3A : vector<1000x1xf32> to vector<1000x128xf32>
    %mul3A_38 = arith.mulf %get3A_37, %mul3A : vector<1000x128xf32>
    %swap3A_39 = arith.constant 0 : index
    %swap3A_40 = arith.constant 0 : index
    %swap3A_41 = vector.load %arg4[%swap3A_39, %swap3A_40] : memref<1000x128xf32, #tpu.memory_space<vmem>>, vector<1000x128xf32>
    tpu.vector_store %arg4[%swap3A_39, %swap3A_40], %mul3A_38 {strides = array<i32>} : memref<1000x128xf32, #tpu.memory_space<vmem>>, vector<1000x128xf32>,
    return
  }
  func.func @transform_0(%arg0: i32) -> (i32, i32, i32, i32) {
    %c0_i32 = arith.constant 0 : i32
    %c0_i32_0 = arith.constant 0 : i32
    %c0_i32_1 = arith.constant 0 : i32
    %c0_i32_2 = arith.constant 0 : i32
    return %c0_i32, %c0_i32_0, %arg0, %c0_i32_1 : i32, i32, i32, i32
  }
  func.func @transform_1(%arg0: i32) -> (i32, i32) {
    %c0_i32 = arith.constant 0 : i32
    %c0_i32_0 = arith.constant 0 : i32
    return %arg0, %c0_i32 : i32, i32
  }
  func.func @transform_2(%arg0: i32) -> (i32, i32) {
    %c0_i32 = arith.constant 0 : i32
    %c0_i32_0 = arith.constant 0 : i32
    return %arg0, %c0_i32 : i32, i32
  }
  func.func @transform_3(%arg0: i32) -> (i32, i32) {
    %c0_i32 = arith.constant 0 : i32
    %c0_i32_0 = arith.constant 0 : i32
    return %arg0, %c0_i32 : i32, i32
  }
}

module attributes {stable_mosaic.version = 14 : i64} {
  func.func @body(%arg0: i32, %arg1: memref<2x1000x128xf32, #tpu.memory_space<vmem>>, %arg2: memref<1000x2xf32, #tpu.memory_space<vmem>>, %arg3: memref<128x128xf32, #tpu.memory_space<vmem>>, %arg4: memref<1x128xf32, #tpu.memory_space<vmem>>, %arg5: memref<1000x128xf32, #tpu.memory_space<vmem>>, %arg6: memref<1000x128xf32, #tpu.memory_space<vmem>>) attributes {dimension_semantics = [#tpu.dimension_semantics<arbitrary>], iteration_bounds = array<i64: 10>, scalar_prefetch = 0 : i64, scratch_operands = 0 : i64, tpu.core_type = #tpu.core_type<tc>, window_params = [{transform_indices = @transform_0, window_bounds = array<i64: 2, 1000, 128>}, {transform_indices = @transform_1, window_bounds = array<i64: 1000, 2>}, {pipeline_mode = #tpu.pipeline_mode<synchronous>, transform_indices = @transform_2, window_bounds = array<i64: 128, 128>}, {pipeline_mode = #tpu.pipeline_mode<synchronous>, transform_indices = @transform_3, window_bounds = array<i64: 1, 128>}, {transform_indices = @transform_4, window_bounds = array<i64: 1000, 128>}, {transform_indices = @transform_5, window_bounds = array<i64: 1000, 128>}]} {
    %get3A = arith.constant 0 : index
    %get3A_0 = arith.constant 0 : index
    %get3A_1 = arith.constant 0 : index
    %get3A_2 = vector.load %arg1[%get3A, %get3A_0, %get3A_1] : memref<2x1000x128xf32, #tpu.memory_space<vmem>>, vector<1x1000x128xf32>
    %get3A_3 = vector.shape_cast %get3A_2 : vector<1x1000x128xf32> to vector<1000x128xf32>
    %get3A_4 = arith.constant 1 : index
    %get3A_5 = arith.constant 0 : index
    %get3A_6 = arith.constant 0 : index
    %get3A_7 = vector.load %arg1[%get3A_4, %get3A_5, %get3A_6] : memref<2x1000x128xf32, #tpu.memory_space<vmem>>, vector<1x1000x128xf32>
    %get3A_8 = vector.shape_cast %get3A_7 : vector<1x1000x128xf32> to vector<1000x128xf32>
    %add3A = arith.addf %get3A_3, %get3A_8 : vector<1000x128xf32>
    %get3A_9 = arith.constant 0 : index
    %get3A_10 = arith.constant 1 : index
    %get3A_11 = vector.load %arg2[%get3A_9, %get3A_10] : memref<1000x2xf32, #tpu.memory_space<vmem>>, vector<1000x1xf32>
    %mul3A = vector.broadcast %get3A_11 : vector<1000x1xf32> to vector<1000x128xf32>
    %mul3A_12 = arith.mulf %add3A, %mul3A : vector<1000x128xf32>
    %get3A_13 = arith.constant 0 : index
    %get3A_14 = arith.constant 0 : index
    %get3A_15 = vector.load %arg3[%get3A_13, %get3A_14] : memref<128x128xf32, #tpu.memory_space<vmem>>, vector<128x128xf32>
    %dot_general3A = arith.constant dense<0.000000e+00> : vector<1000x128xf32>
    %dot_general3A_16 = tpu.matmul %mul3A_12, %get3A_15, %dot_general3A {dimension_numbers = #tpu.dot_dimension_numbers<[1], [0], [0], [1], [0, 0, 1, 1], [], []>, transpose_lhs_hint = false} : vector<1000x128xf32>, vector<128x128xf32>, vector<1000x128xf32> -> vector<1000x128xf32>
    %get3A_17 = arith.constant 0 : index
    %get3A_18 = arith.constant 0 : index
    %get3A_19 = vector.load %arg4[%get3A_17, %get3A_18] : memref<1x128xf32, #tpu.memory_space<vmem>>, vector<1x128xf32>
    %add3A_20 = vector.broadcast %get3A_19 : vector<1x128xf32> to vector<1000x128xf32>
    %add3A_21 = arith.addf %dot_general3A_16, %add3A_20 : vector<1000x128xf32>
    %swap3A = arith.constant 0 : index
    %swap3A_22 = arith.constant 0 : index
    %swap3A_23 = vector.load %arg5[%swap3A, %swap3A_22] : memref<1000x128xf32, #tpu.memory_space<vmem>>, vector<1000x128xf32>
    tpu.vector_store %arg5[%swap3A, %swap3A_22], %add3A_21 {strides = array<i32>} : memref<1000x128xf32, #tpu.memory_space<vmem>>, vector<1000x128xf32>,
    %get3A_24 = arith.constant 0 : index
    %get3A_25 = arith.constant 0 : index
    %get3A_26 = vector.load %arg2[%get3A_24, %get3A_25] : memref<1000x2xf32, #tpu.memory_space<vmem>>, vector<1000x1xf32>
    %mul3A_27 = vector.broadcast %get3A_26 : vector<1000x1xf32> to vector<1000x128xf32>
    %mul3A_28 = arith.mulf %add3A_21, %mul3A_27 : vector<1000x128xf32>
    %swap3A_29 = arith.constant 0 : index
    %swap3A_30 = arith.constant 0 : index
    %swap3A_31 = vector.load %arg6[%swap3A_29, %swap3A_30] : memref<1000x128xf32, #tpu.memory_space<vmem>>, vector<1000x128xf32>
    tpu.vector_store %arg6[%swap3A_29, %swap3A_30], %mul3A_28 {strides = array<i32>} : memref<1000x128xf32, #tpu.memory_space<vmem>>, vector<1000x128xf32>,
    return
  }
  func.func @transform_0(%arg0: i32) -> (i32, i32, i32) {
    %c0_i32 = arith.constant 0 : i32
    %c0_i32_0 = arith.constant 0 : i32
    %c0_i32_1 = arith.constant 0 : i32
    return %c0_i32, %arg0, %c0_i32_0 : i32, i32, i32
  }
  func.func @transform_1(%arg0: i32) -> (i32, i32) {
    %c0_i32 = arith.constant 0 : i32
    %c0_i32_0 = arith.constant 0 : i32
    return %arg0, %c0_i32 : i32, i32
  }
  func.func @transform_2(%arg0: i32) -> (i32, i32) {
    %c0_i32 = arith.constant 0 : i32
    %c0_i32_0 = arith.constant 0 : i32
    %c0_i32_1 = arith.constant 0 : i32
    return %c0_i32, %c0_i32_0 : i32, i32
  }
  func.func @transform_3(%arg0: i32) -> (i32, i32) {
    %c0_i32 = arith.constant 0 : i32
    %c0_i32_0 = arith.constant 0 : i32
    %c0_i32_1 = arith.constant 0 : i32
    return %c0_i32, %c0_i32_0 : i32, i32
  }
  func.func @transform_4(%arg0: i32) -> (i32, i32) {
    %c0_i32 = arith.constant 0 : i32
    %c0_i32_0 = arith.constant 0 : i32
    return %arg0, %c0_i32 : i32, i32
  }
  func.func @transform_5(%arg0: i32) -> (i32, i32) {
    %c0_i32 = arith.constant 0 : i32
    %c0_i32_0 = arith.constant 0 : i32
    return %arg0, %c0_i32 : i32, i32
  }
}

module attributes {stable_mosaic.version = 14 : i64} {
  func.func @body(%arg0: i32, %arg1: memref<2x1000x128xf32, #tpu.memory_space<vmem>>, %arg2: memref<1000x2xf32, #tpu.memory_space<vmem>>, %arg3: memref<128x128xf32, #tpu.memory_space<vmem>>, %arg4: memref<1x128xf32, #tpu.memory_space<vmem>>, %arg5: memref<128x128xf32, #tpu.memory_space<vmem>>, %arg6: memref<1x128xf32, #tpu.memory_space<vmem>>, %arg7: memref<128x128xf32, #tpu.memory_space<vmem>>, %arg8: memref<1x128xf32, #tpu.memory_space<vmem>>, %arg9: memref<128x64xf32, #tpu.memory_space<vmem>>, %arg10: memref<1x64xf32, #tpu.memory_space<vmem>>, %arg11: memref<1000x128xf32, #tpu.memory_space<vmem>>, %arg12: memref<1000x64xf32, #tpu.memory_space<vmem>>) attributes {dimension_semantics = [#tpu.dimension_semantics<arbitrary>], iteration_bounds = array<i64: 10>, scalar_prefetch = 0 : i64, scratch_operands = 0 : i64, tpu.core_type = #tpu.core_type<tc>, window_params = [{transform_indices = @transform_0, window_bounds = array<i64: 2, 1000, 128>}, {transform_indices = @transform_1, window_bounds = array<i64: 1000, 2>}, {pipeline_mode = #tpu.pipeline_mode<synchronous>, transform_indices = @transform_2, window_bounds = array<i64: 128, 128>}, {pipeline_mode = #tpu.pipeline_mode<synchronous>, transform_indices = @transform_3, window_bounds = array<i64: 1, 128>}, {pipeline_mode = #tpu.pipeline_mode<synchronous>, transform_indices = @transform_4, window_bounds = array<i64: 128, 128>}, {pipeline_mode = #tpu.pipeline_mode<synchronous>, transform_indices = @transform_5, window_bounds = array<i64: 1, 128>}, {pipeline_mode = #tpu.pipeline_mode<synchronous>, transform_indices = @transform_6, window_bounds = array<i64: 128, 128>}, {pipeline_mode = #tpu.pipeline_mode<synchronous>, transform_indices = @transform_7, window_bounds = array<i64: 1, 128>}, {pipeline_mode = #tpu.pipeline_mode<synchronous>, transform_indices = @transform_8, window_bounds = array<i64: 128, 64>}, {pipeline_mode = #tpu.pipeline_mode<synchronous>, transform_indices = @transform_9, window_bounds = array<i64: 1, 64>}, {transform_indices = @transform_10, window_bounds = array<i64: 1000, 128>}, {transform_indices = @transform_11, window_bounds = array<i64: 1000, 64>}]} {
    %get3A = arith.constant 0 : index
    %get3A_0 = arith.constant 0 : index
    %get3A_1 = arith.constant 0 : index
    %get3A_2 = vector.load %arg1[%get3A, %get3A_0, %get3A_1] : memref<2x1000x128xf32, #tpu.memory_space<vmem>>, vector<1x1000x128xf32>
    %get3A_3 = vector.shape_cast %get3A_2 : vector<1x1000x128xf32> to vector<1000x128xf32>
    %get3A_4 = arith.constant 1 : index
    %get3A_5 = arith.constant 0 : index
    %get3A_6 = arith.constant 0 : index
    %get3A_7 = vector.load %arg1[%get3A_4, %get3A_5, %get3A_6] : memref<2x1000x128xf32, #tpu.memory_space<vmem>>, vector<1x1000x128xf32>
    %get3A_8 = vector.shape_cast %get3A_7 : vector<1x1000x128xf32> to vector<1000x128xf32>
    %add3A = arith.addf %get3A_3, %get3A_8 : vector<1000x128xf32>
    %get3A_9 = arith.constant 0 : index
    %get3A_10 = arith.constant 1 : index
    %get3A_11 = vector.load %arg2[%get3A_9, %get3A_10] : memref<1000x2xf32, #tpu.memory_space<vmem>>, vector<1000x1xf32>
    %mul3A = vector.broadcast %get3A_11 : vector<1000x1xf32> to vector<1000x128xf32>
    %mul3A_12 = arith.mulf %add3A, %mul3A : vector<1000x128xf32>
    %get3A_13 = arith.constant 0 : index
    %get3A_14 = arith.constant 0 : index
    %get3A_15 = vector.load %arg3[%get3A_13, %get3A_14] : memref<128x128xf32, #tpu.memory_space<vmem>>, vector<128x128xf32>
    %dot_general3A = arith.constant dense<0.000000e+00> : vector<1000x128xf32>
    %dot_general3A_16 = tpu.matmul %mul3A_12, %get3A_15, %dot_general3A {dimension_numbers = #tpu.dot_dimension_numbers<[1], [0], [0], [1], [0, 0, 1, 1], [], []>, transpose_lhs_hint = false} : vector<1000x128xf32>, vector<128x128xf32>, vector<1000x128xf32> -> vector<1000x128xf32>
    %get3A_17 = arith.constant 0 : index
    %get3A_18 = arith.constant 0 : index
    %get3A_19 = vector.load %arg4[%get3A_17, %get3A_18] : memref<1x128xf32, #tpu.memory_space<vmem>>, vector<1x128xf32>
    %add3A_20 = vector.broadcast %get3A_19 : vector<1x128xf32> to vector<1000x128xf32>
    %add3A_21 = arith.addf %dot_general3A_16, %add3A_20 : vector<1000x128xf32>
    %swap3A = arith.constant 0 : index
    %swap3A_22 = arith.constant 0 : index
    %swap3A_23 = vector.load %arg11[%swap3A, %swap3A_22] : memref<1000x128xf32, #tpu.memory_space<vmem>>, vector<1000x128xf32>
    tpu.vector_store %arg11[%swap3A, %swap3A_22], %add3A_21 {strides = array<i32>} : memref<1000x128xf32, #tpu.memory_space<vmem>>, vector<1000x128xf32>,
    %get3A_24 = arith.constant 0 : index
    %get3A_25 = arith.constant 0 : index
    %get3A_26 = vector.load %arg5[%get3A_24, %get3A_25] : memref<128x128xf32, #tpu.memory_space<vmem>>, vector<128x128xf32>
    %dot_general3A_27 = arith.constant dense<0.000000e+00> : vector<1000x128xf32>
    %dot_general3A_28 = tpu.matmul %add3A_21, %get3A_26, %dot_general3A_27 {dimension_numbers = #tpu.dot_dimension_numbers<[1], [0], [0], [1], [0, 0, 1, 1], [], []>, transpose_lhs_hint = false} : vector<1000x128xf32>, vector<128x128xf32>, vector<1000x128xf32> -> vector<1000x128xf32>
    %get3A_29 = arith.constant 0 : index
    %get3A_30 = arith.constant 0 : index
    %get3A_31 = vector.load %arg6[%get3A_29, %get3A_30] : memref<1x128xf32, #tpu.memory_space<vmem>>, vector<1x128xf32>
    %add3A_32 = vector.broadcast %get3A_31 : vector<1x128xf32> to vector<1000x128xf32>
    %add3A_33 = arith.addf %dot_general3A_28, %add3A_32 : vector<1000x128xf32>
    %max3A = arith.constant 0.000000e+00 : f32
    %max3A_34 = vector.broadcast %max3A : f32 to vector<1000x128xf32>
    %max3A_35 = arith.maximumf %add3A_33, %max3A_34 : vector<1000x128xf32>
    %get3A_36 = arith.constant 0 : index
    %get3A_37 = arith.constant 0 : index
    %get3A_38 = vector.load %arg7[%get3A_36, %get3A_37] : memref<128x128xf32, #tpu.memory_space<vmem>>, vector<128x128xf32>
    %dot_general3A_39 = arith.constant dense<0.000000e+00> : vector<1000x128xf32>
    %dot_general3A_40 = tpu.matmul %max3A_35, %get3A_38, %dot_general3A_39 {dimension_numbers = #tpu.dot_dimension_numbers<[1], [0], [0], [1], [0, 0, 1, 1], [], []>, transpose_lhs_hint = false} : vector<1000x128xf32>, vector<128x128xf32>, vector<1000x128xf32> -> vector<1000x128xf32>
    %get3A_41 = arith.constant 0 : index
    %get3A_42 = arith.constant 0 : index
    %get3A_43 = vector.load %arg8[%get3A_41, %get3A_42] : memref<1x128xf32, #tpu.memory_space<vmem>>, vector<1x128xf32>
    %add3A_44 = vector.broadcast %get3A_43 : vector<1x128xf32> to vector<1000x128xf32>
    %add3A_45 = arith.addf %dot_general3A_40, %add3A_44 : vector<1000x128xf32>
    %max3A_46 = arith.constant 0.000000e+00 : f32
    %max3A_47 = vector.broadcast %max3A_46 : f32 to vector<1000x128xf32>
    %max3A_48 = arith.maximumf %add3A_45, %max3A_47 : vector<1000x128xf32>
    %get3A_49 = arith.constant 0 : index
    %get3A_50 = arith.constant 0 : index
    %get3A_51 = vector.load %arg9[%get3A_49, %get3A_50] : memref<128x64xf32, #tpu.memory_space<vmem>>, vector<128x64xf32>
    %dot_general3A_52 = arith.constant dense<0.000000e+00> : vector<1000x64xf32>
    %dot_general3A_53 = tpu.matmul %max3A_48, %get3A_51, %dot_general3A_52 {dimension_numbers = #tpu.dot_dimension_numbers<[1], [0], [0], [1], [0, 0, 1, 1], [], []>, transpose_lhs_hint = false} : vector<1000x128xf32>, vector<128x64xf32>, vector<1000x64xf32> -> vector<1000x64xf32>
    %get3A_54 = arith.constant 0 : index
    %get3A_55 = arith.constant 0 : index
    %get3A_56 = vector.load %arg10[%get3A_54, %get3A_55] : memref<1x64xf32, #tpu.memory_space<vmem>>, vector<1x64xf32>
    %add3A_57 = vector.broadcast %get3A_56 : vector<1x64xf32> to vector<1000x64xf32>
    %add3A_58 = arith.addf %dot_general3A_53, %add3A_57 : vector<1000x64xf32>
    %swap3A_59 = arith.constant 0 : index
    %swap3A_60 = arith.constant 0 : index
    %swap3A_61 = vector.load %arg12[%swap3A_59, %swap3A_60] : memref<1000x64xf32, #tpu.memory_space<vmem>>, vector<1000x64xf32>
    tpu.vector_store %arg12[%swap3A_59, %swap3A_60], %add3A_58 {strides = array<i32>} : memref<1000x64xf32, #tpu.memory_space<vmem>>, vector<1000x64xf32>,
    return
  }
  func.func @transform_0(%arg0: i32) -> (i32, i32, i32) {
    %c0_i32 = arith.constant 0 : i32
    %c0_i32_0 = arith.constant 0 : i32
    %c0_i32_1 = arith.constant 0 : i32
    return %c0_i32, %arg0, %c0_i32_0 : i32, i32, i32
  }
  func.func @transform_1(%arg0: i32) -> (i32, i32) {
    %c0_i32 = arith.constant 0 : i32
    %c0_i32_0 = arith.constant 0 : i32
    return %arg0, %c0_i32 : i32, i32
  }
  func.func @transform_2(%arg0: i32) -> (i32, i32) {
    %c0_i32 = arith.constant 0 : i32
    %c0_i32_0 = arith.constant 0 : i32
    %c0_i32_1 = arith.constant 0 : i32
    return %c0_i32, %c0_i32_0 : i32, i32
  }
  func.func @transform_3(%arg0: i32) -> (i32, i32) {
    %c0_i32 = arith.constant 0 : i32
    %c0_i32_0 = arith.constant 0 : i32
    %c0_i32_1 = arith.constant 0 : i32
    return %c0_i32, %c0_i32_0 : i32, i32
  }
  func.func @transform_4(%arg0: i32) -> (i32, i32) {
    %c0_i32 = arith.constant 0 : i32
    %c0_i32_0 = arith.constant 0 : i32
    %c0_i32_1 = arith.constant 0 : i32
    return %c0_i32, %c0_i32_0 : i32, i32
  }
  func.func @transform_5(%arg0: i32) -> (i32, i32) {
    %c0_i32 = arith.constant 0 : i32
    %c0_i32_0 = arith.constant 0 : i32
    %c0_i32_1 = arith.constant 0 : i32
    return %c0_i32, %c0_i32_0 : i32, i32
  }
  func.func @transform_6(%arg0: i32) -> (i32, i32) {
    %c0_i32 = arith.constant 0 : i32
    %c0_i32_0 = arith.constant 0 : i32
    %c0_i32_1 = arith.constant 0 : i32
    return %c0_i32, %c0_i32_0 : i32, i32
  }
  func.func @transform_7(%arg0: i32) -> (i32, i32) {
    %c0_i32 = arith.constant 0 : i32
    %c0_i32_0 = arith.constant 0 : i32
    %c0_i32_1 = arith.constant 0 : i32
    return %c0_i32, %c0_i32_0 : i32, i32
  }
  func.func @transform_8(%arg0: i32) -> (i32, i32) {
    %c0_i32 = arith.constant 0 : i32
    %c0_i32_0 = arith.constant 0 : i32
    %c0_i32_1 = arith.constant 0 : i32
    return %c0_i32, %c0_i32_0 : i32, i32
  }
  func.func @transform_9(%arg0: i32) -> (i32, i32) {
    %c0_i32 = arith.constant 0 : i32
    %c0_i32_0 = arith.constant 0 : i32
    %c0_i32_1 = arith.constant 0 : i32
    return %c0_i32, %c0_i32_0 : i32, i32
  }
  func.func @transform_10(%arg0: i32) -> (i32, i32) {
    %c0_i32 = arith.constant 0 : i32
    %c0_i32_0 = arith.constant 0 : i32
    return %arg0, %c0_i32 : i32, i32
  }
  func.func @transform_11(%arg0: i32) -> (i32, i32) {
    %c0_i32 = arith.constant 0 : i32
    %c0_i32_0 = arith.constant 0 : i32
    return %arg0, %c0_i32 : i32, i32
  }
}

</mosaic_0001>

<sc_bundles>
// kernel: kernel.12.cloned.1.call-start
scs
__scs_entry_jumppad:
0x0: {  	(pc) =	sbr.rel $0x88, $3  }
0x1: {  	(tag) =	ssettag $0x0;
	lr =	simm.s32 $0x1  }
0x2: {  	[smem:$0x3F90] =	sst lr;
	_ =	strace $0xD0000000  }
0x3: {  	_ = 	snop  }
0x4: {  	_ = 	snop  }
0x5: {  	_ = 	snop  }
0x6: {  	_ = 	snop  }
0x7: {  	_ = 	snop  }
__scs_overlays_trampoline_lowered:
0x8: {  	[smem:$0x3F9F] =	sst s0  }
0x9: {  	[smem:$0x3FA0] =	sst s1  }
0xa: {  	[smem:$0x3FA1] =	sst s2  }
0xb: {  	[smem:$0x3FA2] =	sst s3  }
0xc: {  	[smem:$0x3FA3] =	sst s4  }
0xd: {  	[smem:$0x3FA4] =	sst s5  }
0xe: {  	[smem:$0x3FA5] =	sst s6  }
0xf: {  	[smem:$0x3FA6] =	sst s7  }
0x10: {  	[smem:$0x3FA7] =	sst s8  }
0x11: {  	[smem:$0x3FA8] =	sst s9;
	s0 =	simm.s32 @!p0 $0x0  }
0x12: {  	s1 =	sld [smem:$0x3F8E];
	s0 =	simm.s32 @p0 $0x1  }
0x13: {  	[smem:$0x3FA9] =	sst s0;
	s0 =	simm.s32 @!p1 $0x0  }
0x14: {  	s2 =	sld [smem:$0x3F8D];
	s0 =	simm.s32 @p1 $0x1  }
0x15: {  	[smem:$0x3FAA] =	sst s0;
	s0 =	simm.s32 @!p2 $0x0  }
0x16: {  	s3 =	sld [smem:$0x3FDB];
	s0 =	simm.s32 @p2 $0x1  }
0x17: {  	s4 =	simm.s32 $0x1BF5;
	[smem:$0x3FAC] =	sst s0  }
0x18: {  	s0 =	sld [smem:$0x3F8F];
	_ =	swait.ge [sflag:s4], $0x0  }
0x19: {  	s7 =	sld [smem:$0x3F90]  }
0x1a: {  	s8 =	sadd.s32 $0xFFFFE003, lr  }
0x1b: {  	s9 =	sadd.s32 $0xFFFFFEF7, lr;
	s5 =	simm.s32 $0xFFFFFFFF;
	p2 =	slt.u32 s8, $0xFFFFF086  }
0x1c: {  	p1 =	slt.u32 s9, $0xF7A;
	s5 =	simm.s32 @!p2 $0x0  }
0x1d: {  	s5 =	simm.s32 @p1 $0x1;
	p0 =	seq.s32 s7, s2  }
0x1e: {  	s7 =	smul.u32 @!p0 $0xF7A, s2;
	p2 =	seq.s32 @!p0 s5, $0x0  }
0x1f: {  	s9 =	smul.u32 $0xF7A, s1;
	s8 =	simm.s32 @!p0 $0x1BF5;
	p2 =	por !p2, p0  }
0x20: {  	[sflag:s8] =	ssyncset.s32 @!p0 $0xFFFFF086;
	s6 =	sadd.s32 @!p0 s3, s7;
	s7 =	simm.s32 @!p0 $0x108  }
0x21: {  	s3 =	sadd.s32 s3, s9;
	s6 =	sadd.s32 @!p0 $0x88, s6;
	s7 =	simm.s32 @p2 $0x1082  }
0x22: {  	[simem:s7], [sflag:s8] =	dma.local @!p0 [hbm:s6], $0xF7A  }
0x23: {  	s9 =	sor.u32 $0xD0000000, s2;
	s6 =	simm.s32 $0x108;
	_ =	swait.ge @!p0 [sflag:s8], $0x0  }
0x24: {  	s3 =	sadd.s32 $0x88, s3;
	s6 =	simm.s32 @!p1 $0x1082;
	[sflag:s4] =	ssyncset.s32 $0xFFFFF086  }
0x25: {  	[simem:s6], [sflag:s4] =	dma.local [hbm:s3], $0xF7A  }
0x26: {  	[smem:$0x3F90] =	sst s1;
	(tag) =	ssettag s2;
	_ =	strace s9  }
0x27: {  	s1 =	sld [smem:$0x3FA0]  }
0x28: {  	s2 =	sld [smem:$0x3FA1]  }
0x29: {  	s4 =	sld [smem:$0x3FA3]  }
0x2a: {  	p0 =	seq.s32 s5, $0x0;
	s5 =	sld [smem:$0x3FA4]  }
0x2b: {  	s6 =	sld [smem:$0x3FA5]  }
0x2c: {  	s7 =	sld [smem:$0x3FA6]  }
0x2d: {  	s3 =	simm.s32 $0x108;
	s8 =	sld [smem:$0x3FA7]  }
0x2e: {  	s3 =	simm.s32 @!p0 $0x1082;
	s9 =	sld [smem:$0x3FA8]  }
0x2f: {  	lr =	sadd.s32 s0, s3;
	s0 =	sld [smem:$0x3F9F]  }
0x30: {  	s3 =	sld [smem:$0x3FA2]  }
0x31: {  	[smem:$0x3FAB] =	sst s10  }
0x32: {  	s10 =	sld [smem:$0x3FA9];
	_ =	sdelay $0x3  }
0x33: {  	p0 =	seq.s32 s10, $0x1;
	s10 =	sld [smem:$0x3FAB];
	_ =	sdelay $0x3  }
0x34: {  	[smem:$0x3FAB] =	sst s10  }
0x35: {  	s10 =	sld [smem:$0x3FAA];
	_ =	sdelay $0x3  }
0x36: {  	p1 =	seq.s32 s10, $0x1;
	s10 =	sld [smem:$0x3FAB];
	_ =	sdelay $0x3  }
0x37: {  	[smem:$0x3FAB] =	sst s10  }
0x38: {  	s10 =	sld [smem:$0x3FAC]  }
0x39: {  	_ = 	snop;
	(pc) =	sbr.ind lr, $3  }
0x3a: {  	_ = 	snop  }
0x3b: {  	_ = 	snop  }
0x3c: {  	p2 =	seq.s32 s10, $0x1;
	s10 =	sld [smem:$0x3FAB]  }
0x3d: {  	_ =	shalt  }
0x3e: {  	_ =	shalt  }
0x3f: {  	_ =	shalt  }
0x40: {  	_ =	shalt  }
0x41: {  	_ =	shalt  }
0x42: {  	_ =	shalt  }
0x43: {  	_ =	shalt  }
0x44: {  	_ =	shalt  }
0x45: {  	_ =	shalt  }
0x46: {  	_ =	shalt  }
0x47: {  	_ =	shalt  }
0x48: {  	_ =	shalt  }
0x49: {  	_ =	shalt  }
0x4a: {  	_ =	shalt  }
0x4b: {  	_ =	shalt  }
0x4c: {  	_ =	shalt  }
0x4d: {  	_ =	shalt  }
0x4e: {  	_ =	shalt  }
0x4f: {  	_ =	shalt  }
0x50: {  	_ =	shalt  }
0x51: {  	_ =	shalt  }
0x52: {  	_ =	shalt  }
0x53: {  	_ =	shalt  }
0x54: {  	_ =	shalt  }
0x55: {  	_ =	shalt  }
0x56: {  	_ =	shalt  }
0x57: {  	_ =	shalt  }
0x58: {  	_ =	shalt  }
0x59: {  	_ =	shalt  }
0x5a: {  	_ =	shalt  }
0x5b: {  	_ =	shalt  }
0x5c: {  	_ =	shalt  }
0x5d: {  	_ =	shalt  }
0x5e: {  	_ =	shalt  }
0x5f: {  	_ =	shalt  }
0x60: {  	_ =	shalt  }
0x61: {  	_ =	shalt  }
0x62: {  	_ =	shalt  }
0x63: {  	_ =	shalt  }
0x64: {  	_ =	shalt  }
0x65: {  	_ =	shalt  }
0x66: {  	_ =	shalt  }
0x67: {  	_ =	shalt  }
0x68: {  	_ =	shalt  }
0x69: {  	_ =	shalt  }
0x6a: {  	_ =	shalt  }
0x6b: {  	_ =	shalt  }
0x6c: {  	_ =	shalt  }
0x6d: {  	_ =	shalt  }
0x6e: {  	_ =	shalt  }
0x6f: {  	_ =	shalt  }
0x70: {  	_ =	shalt  }
0x71: {  	_ =	shalt  }
0x72: {  	_ =	shalt  }
0x73: {  	_ =	shalt  }
0x74: {  	_ =	shalt  }
0x75: {  	_ =	shalt  }
0x76: {  	_ =	shalt  }
0x77: {  	_ =	shalt  }
0x78: {  	_ =	shalt  }
0x79: {  	_ =	shalt  }
0x7a: {  	_ =	shalt  }
0x7b: {  	_ =	shalt  }
0x7c: {  	_ =	shalt  }
0x7d: {  	_ =	shalt  }
0x7e: {  	_ =	shalt  }
0x7f: {  	_ =	shalt  }
0x80: {  	_ =	shalt  }
0x81: {  	_ =	shalt  }
0x82: {  	_ =	shalt  }
0x83: {  	_ =	shalt  }
0x84: {  	_ =	shalt  }
0x85: {  	_ =	shalt  }
0x86: {  	_ =	shalt  }
0x87: {  	_ =	shalt  }
.Lfunc_end0:
.L_simem_size_0:
called_computation.1_lowered:
.L_overlay_start_0:
0x88: {  	s2 =	sld [smem:$0x3FD9]  }
0x89: {  	s3 =	sld [smem:$0x3FFE];
	_ =	sdelay $0x1  }
0x8a: {  	s1 =	srdreg.scid  }
0x8b: {  	s0 =	sand.u32 $0x1, s1  }
0x8c: {  	s14 =	sshll.u32 s0, $0xA;
	s2 =	sadd.s32 s3, s2  }
0x8d: {  	s2 =	sadd.s32 s2, s14  }
0x8e: {  	[smem:$0x3FB7] =	sst s2  }
0x8f: {  	_ = 	snop  }
0x90: {  	s2 =	sld [smem:$0x3FD0];
	_ =	sdelay $0x2  }
0x91: {  	s15 =	simm.s32 $0xA;
	s4 =	simm.s32 $0x10  }
0x92: {  	[smem:s4], [sflag:s15] =	dma.local [hbm:s2], $0x1  }
0x93: {  	_ =	swait.eq [sflag:s15], $0x1  }
0x94: {  	[sflag:s15] =	ssyncset.done $0x0  }
0x95: {  	s16 =	sld [smem:$0x11];
	[sflag:s15] =	ssyncadd.s32 $0xFFFFFFFF  }
0x96: {  	s17 =	sld [smem:$0x12];
	(tm) =	ssettm $0x1  }
0x97: {  	s18 =	sld [smem:$0x3FFB];
	_ =	sdelay $0x3  }
0x98: {  	_ =	strace s18  }
0x99: {  	s4 =	sld [smem:$0x3FFC];
	_ =	sdelay $0x3  }
0x9a: {  	_ =	strace s4  }
0x9b: {  	s4 =	sld [smem:$0x3FFD];
	_ =	sdelay $0x3  }
0x9c: {  	_ =	strace s4  }
0x9d: {  	_ =	strace $0x8FFFFFFF  }
0x9e: {  	s19 =	sld [smem:$0x3FDB];
	_ =	sdelay $0x1  }
0x9f: {  	s5 =	simm.s32 $_scs_section_size  }
0xa0: {  	s6 =	simm.s32 $_size__tile_overlayer_lowered;
	s7 =	simm.s32 $_tile_overlayer_lowered  }
0xa1: {  	s22 =	simm.s32 $0x1BFF;
	s21 =	sshll.u32 s7, $0x1;
	s4 =	sadd.s32 s5, s19  }
0xa2: {  	s8 =	simm.s32 $0x0;
	s20 =	sshll.u32 s6, $0x1;
	s6 =	sadd.s32 s21, s4  }
0xa3: {  	[timem:s8], [sflag:s22] =	dma.local [hbm:s6], s20  }
0xa4: {  	_ =	swait.ge [sflag:s22], s20  }
0xa5: {  	s5 =	ssub.s32 $0x0, s20;
	[sflag:s22] =	ssyncset.done $0x0  }
0xa6: {  	[sflag:s22] =	ssyncadd.s32 s5;
	_ =	sdelay $0x1  }
0xa7: {  	s23 =	simm.s32 $0x1B8B  }
0xa8: {  	_ =	swait.ge [sflag:s23], $0x1  }
0xa9: {  	[sflag:s23] =	ssyncset.done $0x0  }
0xaa: {  	s25 =	simm.s32 $0x1B8E;
	s24 =	sld [smem:$0x3FFE];
	[sflag:s23] =	ssyncadd.s32 $0xFFFFFFFF  }
0xab: {  	s26 =	simm.s32 $execute0_lowered;
	[smem:$0x3FD2] =	sst s25  }
0xac: {  	s6 =	sshll.u32 s26, $0x1;
	_ =	strace $0x80000049;
	[dreg:$0x1] =	wrdreg $0xFFFFFFFF  }
0xad: {  	s28 =	simm.s32 $_size_execute0_lowered;
	s4 =	sadd.s32 s4, s6;
	[dreg:$0x0] =	wrdreg $0x0  }
0xae: {  	s6 =	sshll.u32 s28, $0x1;
	[dreg:$0x2] =	wrdreg s4  }
0xaf: {  	[dreg:$0x3] =	wrdreg s6  }
0xb0: {  	[dreg:$0x4] =	wrdreg $0xC0  }
0xb1: {  	_ =	task [dreg:s8], $0x5FFFF  }
0xb2: {  	[dreg:$0x1] =	wrdreg $0xFFFFFFFF  }
0xb3: {  	[dreg:$0x0] =	wrdreg $0x60  }
0xb4: {  	[dreg:$0x2] =	wrdreg s16  }
0xb5: {  	[dreg:$0x3] =	wrdreg s24  }
0xb6: {  	[dreg:$0x4] =	wrdreg s17  }
0xb7: {  	[dreg:$0x5] =	wrdreg $0x52000  }
0xb8: {  	[dreg:$0x6] =	wrdreg $0x9  }
0xb9: {  	_ =	task.clear_ibuf [dreg:s8], $0x7FFFF;
	_ =	strace $0x90000049  }
0xba: {  	s29 =	simm.s32 $0x9;
	_ =	strace $0x8000004B  }
0xbb: {  	_ =	swait.ge [sflag:s29], $0x1  }
0xbc: {  	[sflag:s29] =	ssyncadd.s32 $0xFFFFFFFF  }
0xbd: {  	_ =	strace $0x9000004B  }
0xbe: {  	_ =	sfence  }
0xbf: {  	s30 =	sld [smem:$0x0];
	_ =	sdelay $0x2  }
0xc0: {  	s31 =	sshll.u32 s1, $0xD;
	s1 =	sshrl.u32 s1, $0x2  }
0xc1: {  	s3 =	sand.u32 $0x4000, s31;
	s1 =	sadd.s32 s1, s30  }
0xc2: {  	s0 =	sor.u32 s3, s0;
	s1 =	sshll.u32 s1, $0x11  }
0xc3: {  	s0 =	sor.u32 s1, s0  }
0xc4: {  	s0 =	sadd.s32 $0x8F2B, s0  }
0xc5: {  	[sflag:s0] =	ssyncadd.remote.s32 $0x1  }
0xc6: {  	_ =	sfence.sel $0xFFFF  }
0xc7: {  	[dreg:$0x0] =	wrdreg $0xFFFFFFFF;
	(pc) =	sbr.abs _section_cstart, $3  }
0xc8: {  	[dreg:$0x1] =	wrdreg $0xFFFFFFFF  }
0xc9: {  	_ =	task.clear_ibuf [dreg:s8], $0x2FFFF;
	_ =	strace $0x9FFFFFFF  }
0xca: {  	(tm) =	ssettm $0x7FFFFFFF  }
0xcb: {  	_ =	shalt  }
tec
execute0_lowered:
.L_overlay_start_1:
0x0: {  	(tag) =	ssettag $0x1  }
0x1: {  	s1 =	rddreg [dreg:$0x0]  }
0x2: {  	s0 =	rddreg [dreg:$0x1]  }
0x3: {  	s2 =	rddreg [dreg:$0x2]  }
0x4: {  	s3 =	rddreg [dreg:$0x3];
	s4 =	srdreg.scid;
	s5 =	simm.s32 $0x0  }
0x5: {  	s11 =	stileid.u32;
	s28 =	simm.s32 $0x200;
	s29 =	simm.s32 $0x5  }
0x6: {  	s30 =	simm.s32 $0x80;
	s31 =	simm.s32 $0x100;
	s8 =	smul.u32 $0x14000, s11  }
0x7: {  	s4 =	sand.u32 $0x1, s4;
	[smem:$0x7FF] =	sst s5;
	s23 =	smul.u32 $0x50000, s11  }
0x8: {  	s6 =	sadd.s32 $0x3200, s0;
	s10 =	sadd.s32 $0xD000, s0;
	s13 =	smul.u32 $0x2710, s11  }
0x9: {  	s7 =	smul.u32 $0x140000, s4;
	_ =	strace $0x8000004A;
	s9 =	sshll.u32 s4, $0x4  }
0xa: {  	s21 =	ssub.s32 $0x2, s4;
	s4 =	smul.u32 $0x27100, s4;
	s20 =	sor.u32 s11, s9  }
0xb: {  	[dreg:$0x5] =	wrdreg s10;
	s7 =	sadd.s32 s8, s7;
	s8 =	smul.u32 $0x2710, s20  }
0xc: {  	s22 =	sshrl.u32 s21, $0x1;
	s9 =	sshrl.u32 s23, $0x2;
	s11 =	simm.s32 $0x2  }
0xd: {  	s18 =	sadd.s32 s13, s4;
	s7 =	sshrl.u32 s7, $0x3;
	s8 =	sshrl.u32 s8, $0x3  }
0xe: {  	s13 =	simm.s32 $0x0;
	s0 =	sadd.s32 s7, s0;
	s24 =	sadd.s32 s6, s8  }
0xf: {  	s7 =	ssub.s32 s21, s22;
	s25 =	sadd.s32 s2, s8;
	[dreg:$0x6] =	wrdreg s24  }
0x10: {  	s26 =	sadd.s32 $0xA, s8;
	s0 =	sadd.s32 $0xD600, s0;
	[dreg:$0x7] =	wrdreg s25  }
0x11: {  	s14 =	smax.u32 s7, $0x1;
	s7 =	simm.s32 $0x50;
	[dreg:$0xa] =	wrdreg s0  }
0x12: {  	s12 =	sadd.s32 s6, s26;
	s10 =	sadd.s32 s2, s26;
	[dreg:$0xb] =	wrdreg s14  }
0x13: {  	s25 =	sadd.s32 $0xF0, s18;
	s26 =	sadd.s32 $0x4D8, s8;
	[dreg:$0x8] =	wrdreg s12  }
0x14: {  	s0 =	simm.s32 $0x180;
	s8 =	simm.s32 $0x4;
	[dreg:$0x9] =	wrdreg s10  }
0x15: {  	s12 =	sadd.s32 s9, s3;
	s4 =	sshrl.u32 s25, $0x3;
	s21 =	sadd.s32 s6, s26  }
0x16: {  	s22 =	sadd.s32 s2, s26;
	s25 =	sadd.s32 $0xA0, s18;
	s9 =	simm.s32 $0x2A00  }
0x17: {  	s10 =	simm.s32 $0x1;
	s15 =	sadd.s32 $0x2800, s12;
	s16 =	sadd.s32 $0x5000, s12  }
0x18: {  	s17 =	sadd.s32 $0x7800, s12;
	s24 =	sadd.s32 $0xA000, s12;
	[dreg:$0xc] =	wrdreg s15  }
0x19: {  	s19 =	sadd.s32 $0xC800, s12;
	s20 =	sadd.s32 $0xF000, s12;
	[dreg:$0xd] =	wrdreg s16  }
0x1a: {  	s23 =	sadd.s32 s4, s2;
	s26 =	sadd.s32 $0x11800, s12;
	[dreg:$0xe] =	wrdreg s17  }
0x1b: {  	[dreg:$0xf] =	wrdreg s24;
	s24 =	sadd.s32 s4, s6;
	s4 =	simm.s32 $0x3  }
.LBB2_1:
0x1c: {  	s14 =	rddreg [dreg:$0x5]  }
0x1d: {  	[tilespmem:s28], [sflag:$0x5] =	stream.linear.gather [hbm4b:s14+s5], $0x2800, $0x38;
	[tilespmem:$0x19200] =	vst v63  }
0x1e: {  	_ =	swait.ge [sflag:s29], $0x2800  }
0x1f: {  	[sflag:s29] =	ssyncset.done $0x0  }
0x20: {  	[sflag:s29] =	ssyncadd.s32 $0xFFFFD800  }
0x21: {  	[spmem:s12] =	stream.linear.scatter [tilespmem:s28], [sflag:$0x5], $0x2800, $0x38;
	[tilespmem:$0x19200] =	vst v63  }
0x22: {  	_ =	swait.ge [sflag:s29], $0x2800  }
0x23: {  	[sflag:s29] =	ssyncset.done $0x0  }
0x24: {  	s17 =	rddreg [dreg:$0xc];
	[sflag:s29] =	ssyncadd.s32 $0xFFFFD800  }
0x25: {  	[spmem:s17] =	stream.linear.scatter [tilespmem:s28], [sflag:$0x5], $0x2800, $0x38;
	[tilespmem:$0x19200] =	vst v63  }
0x26: {  	_ =	swait.ge [sflag:s29], $0x2800  }
0x27: {  	[sflag:s29] =	ssyncset.done $0x0  }
0x28: {  	s18 =	rddreg [dreg:$0xd];
	[sflag:s29] =	ssyncadd.s32 $0xFFFFD800  }
0x29: {  	[spmem:s18] =	stream.linear.scatter [tilespmem:s28], [sflag:$0x5], $0x2800, $0x38;
	[tilespmem:$0x19200] =	vst v63  }
0x2a: {  	_ =	swait.ge [sflag:s29], $0x2800  }
0x2b: {  	[sflag:s29] =	ssyncset.done $0x0  }
0x2c: {  	s15 =	rddreg [dreg:$0xe];
	[sflag:s29] =	ssyncadd.s32 $0xFFFFD800  }
0x2d: {  	[spmem:s15] =	stream.linear.scatter [tilespmem:s28], [sflag:$0x5], $0x2800, $0x38;
	[tilespmem:$0x19200] =	vst v63  }
0x2e: {  	_ =	swait.ge [sflag:s29], $0x2800  }
0x2f: {  	[sflag:s29] =	ssyncset.done $0x0  }
0x30: {  	s16 =	rddreg [dreg:$0xf];
	[sflag:s29] =	ssyncadd.s32 $0xFFFFD800  }
0x31: {  	[spmem:s16] =	stream.linear.scatter [tilespmem:s28], [sflag:$0x5], $0x2800, $0x38;
	[tilespmem:$0x19200] =	vst v63  }
0x32: {  	_ =	swait.ge [sflag:s29], $0x2800  }
0x33: {  	[sflag:s29] =	ssyncset.done $0x0  }
0x34: {  	[sflag:s29] =	ssyncadd.s32 $0xFFFFD800  }
0x35: {  	[spmem:s19] =	stream.linear.scatter [tilespmem:s28], [sflag:$0x5], $0x2800, $0x38;
	[tilespmem:$0x19200] =	vst v63  }
0x36: {  	_ =	swait.ge [sflag:s29], $0x2800  }
0x37: {  	[sflag:s29] =	ssyncset.done $0x0  }
0x38: {  	[sflag:s29] =	ssyncadd.s32 $0xFFFFD800  }
0x39: {  	[spmem:s20] =	stream.linear.scatter [tilespmem:s28], [sflag:$0x5], $0x2800, $0x38;
	[tilespmem:$0x19200] =	vst v63  }
0x3a: {  	_ =	swait.ge [sflag:s29], $0x2800  }
0x3b: {  	[sflag:s29] =	ssyncset.done $0x0  }
0x3c: {  	[sflag:s29] =	ssyncadd.s32 $0xFFFFD800  }
0x3d: {  	[spmem:s26] =	stream.linear.scatter [tilespmem:s28], [sflag:$0x5], $0x2800, $0x38;
	[tilespmem:$0x19200] =	vst v63  }
0x3e: {  	_ =	swait.ge [sflag:s29], $0x2800  }
0x3f: {  	[sflag:s29] =	ssyncset.done $0x0  }
0x40: {  	[sflag:s29] =	ssyncadd.s32 $0xFFFFD800  }
0x41: {  	[bflag:$0x0] =	sbarrier.arrive $0xFFFF  }
0x42: {  	s17 =	rddreg [dreg:$0x6]  }
0x43: {  	[tilespmem:s5], [sflag:$0x3] =	stream.linear.gather [hbm4b:s17+s5], $0x50, $0x38;
	[tilespmem:$0x19200] =	vst v63  }
0x44: {  	s18 =	rddreg [dreg:$0x7]  }
0x45: {  	[tilespmem:s30], [sflag:$0x3] =	stream.linear.gather [hbm4b:s18+s5], $0x50, $0x38;
	[tilespmem:$0x19200] =	vst v63  }
0x46: {  	s15 =	rddreg [dreg:$0x8]  }
0x47: {  	[tilespmem:s31], [sflag:$0x4] =	stream.linear.gather [hbm4b:s15+s5], $0x50, $0x38;
	[tilespmem:$0x19200] =	vst v63  }
0x48: {  	s16 =	rddreg [dreg:$0x9]  }
0x49: {  	[tilespmem:s0], [sflag:$0x4] =	stream.linear.gather [hbm4b:s16+s5], $0x50, $0x38;
	[tilespmem:$0x19200] =	vst v63  }
0x4a: {  	_ =	swait.ge [sflag:s4], $0x50  }
0x4b: {  	[sflag:s4] =	ssyncset.done $0x0  }
0x4c: {  	[sflag:s4] =	ssyncadd.s32 $0xFFFFFFB0  }
0x4d: {  	_ =	swait.ge [sflag:s4], $0x50  }
0x4e: {  	[sflag:s4] =	ssyncset.done $0x0  }
0x4f: {  	[sflag:s4] =	ssyncadd.s32 $0xFFFFFFB0  }
0x50: {  	[tilespmem:s28], [sflag:$0x1] =	stream.indirect.gather [hbm4b:s1+s7], $0x80, s5, s7, $0xb8;
	[tilespmem:$0x19200] =	vst v63  }
0x51: {  	_ =	swait.ge [sflag:s8], $0x50  }
0x52: {  	[sflag:s8] =	ssyncset.done $0x0  }
0x53: {  	[sflag:s8] =	ssyncadd.s32 $0xFFFFFFB0  }
0x54: {  	_ =	swait.ge [sflag:s8], $0x50  }
0x55: {  	[sflag:s8] =	ssyncset.done $0x0  }
0x56: {  	[sflag:s8] =	ssyncadd.s32 $0xFFFFFFB0  }
0x57: {  	[tilespmem:s9], [sflag:$0x2] =	stream.indirect.gather [hbm4b:s1+s7], $0x80, s31, s7, $0xb8;
	[tilespmem:$0x19200] =	vst v63  }
0x58: {  	_ =	swait.ge [sflag:s10], $0x2800  }
0x59: {  	[sflag:s10] =	ssyncset.done $0x0  }
0x5a: {  	[sflag:s10] =	ssyncadd.s32 $0xFFFFD800  }
0x5b: {  	[spmem:s3] =	stream.indirect.scatter.add.f32 [tilespmem:s28], [sflag:$0x5], $0x80, s30, s7, $0xb8;
	[tilespmem:$0x19200] =	vst v63  }
0x5c: {  	_ =	swait.ge [sflag:s29], $0x2800  }
0x5d: {  	s17 =	sshrl.u32 s25, $0x3;
	[sflag:s29] =	ssyncset.done $0x0  }
0x5e: {  	s15 =	sadd.s32 s6, s17;
	[sflag:s29] =	ssyncadd.s32 $0xFFFFD800  }
0x5f: {  	[tilespmem:s5], [sflag:$0x3] =	stream.linear.gather [hbm4b:s15+s5], $0x50, $0x38;
	[tilespmem:$0x19200] =	vst v63  }
0x60: {  	s14 =	sadd.s32 s2, s17  }
0x61: {  	[tilespmem:s30], [sflag:$0x3] =	stream.linear.gather [hbm4b:s14+s5], $0x50, $0x38;
	[tilespmem:$0x19200] =	vst v63  }
0x62: {  	_ =	swait.ge [sflag:s4], $0x50  }
0x63: {  	[sflag:s4] =	ssyncset.done $0x0  }
0x64: {  	[sflag:s4] =	ssyncadd.s32 $0xFFFFFFB0  }
0x65: {  	_ =	swait.ge [sflag:s4], $0x50  }
0x66: {  	[sflag:s4] =	ssyncset.done $0x0  }
0x67: {  	[sflag:s4] =	ssyncadd.s32 $0xFFFFFFB0  }
0x68: {  	[tilespmem:s28], [sflag:$0x1] =	stream.indirect.gather [hbm4b:s1+s7], $0x80, s5, s7, $0xb8;
	[tilespmem:$0x19200] =	vst v63  }
0x69: {  	_ =	swait.ge [sflag:s11], $0x2800  }
0x6a: {  	[sflag:s11] =	ssyncset.done $0x0  }
0x6b: {  	[sflag:s11] =	ssyncadd.s32 $0xFFFFD800  }
0x6c: {  	[spmem:s3] =	stream.indirect.scatter.add.f32 [tilespmem:s9], [sflag:$0x5], $0x80, s0, s7, $0xb8;
	[tilespmem:$0x19200] =	vst v63  }
0x6d: {  	_ =	swait.ge [sflag:s29], $0x2800  }
0x6e: {  	s18 =	sadd.s32 $0x0, s24;
	s16 =	sadd.s32 $0x0, s23;
	[sflag:s29] =	ssyncset.done $0x0  }
0x6f: {  	s15 =	sadd.s32 $0xA0, s25;
	s14 =	simm.s32 $0x14;
	[sflag:s29] =	ssyncadd.s32 $0xFFFFD800  }
0x70: {  	[tilespmem:s31], [sflag:$0x4] =	stream.linear.gather [hbm4b:s18+s5], $0x50, $0x38;
	[tilespmem:$0x19200] =	vst v63  }
.LBB2_2:
0x71: {  	[tilespmem:s0], [sflag:$0x4] =	stream.linear.gather [hbm4b:s16+s5], $0x50, $0x38;
	[tilespmem:$0x19200] =	vst v63  }
0x72: {  	s16 =	smov.u32 s14  }
0x73: {  	p0 =	sne.s32 s14, $0x4B0;
	s14 =	sadd.s32 $0x14, s14;
	_ =	swait.ge [sflag:s8], $0x50  }
0x74: {  	[sflag:s8] =	ssyncset.done $0x0  }
0x75: {  	[sflag:s8] =	ssyncadd.s32 $0xFFFFFFB0  }
0x76: {  	_ =	swait.ge [sflag:s8], $0x50  }
0x77: {  	[sflag:s8] =	ssyncset.done $0x0  }
0x78: {  	[sflag:s8] =	ssyncadd.s32 $0xFFFFFFB0  }
0x79: {  	[tilespmem:s9], [sflag:$0x2] =	stream.indirect.gather [hbm4b:s1+s7], $0x80, s31, s7, $0xb8;
	[tilespmem:$0x19200] =	vst v63  }
0x7a: {  	_ =	swait.ge [sflag:s10], $0x2800  }
0x7b: {  	[sflag:s10] =	ssyncset.done $0x0  }
0x7c: {  	[sflag:s10] =	ssyncadd.s32 $0xFFFFD800  }
0x7d: {  	[spmem:s3] =	stream.indirect.scatter.add.f32 [tilespmem:s28], [sflag:$0x5], $0x80, s30, s7, $0xb8;
	[tilespmem:$0x19200] =	vst v63  }
0x7e: {  	_ =	swait.ge [sflag:s29], $0x2800  }
0x7f: {  	s17 =	sshrl.u32 s15, $0x3;
	[sflag:s29] =	ssyncset.done $0x0  }
0x80: {  	s18 =	sadd.s32 s6, s17;
	[sflag:s29] =	ssyncadd.s32 $0xFFFFD800  }
0x81: {  	[tilespmem:s5], [sflag:$0x3] =	stream.linear.gather [hbm4b:s18+s5], $0x50, $0x38;
	[tilespmem:$0x19200] =	vst v63  }
0x82: {  	s17 =	sadd.s32 s2, s17  }
0x83: {  	[tilespmem:s30], [sflag:$0x3] =	stream.linear.gather [hbm4b:s17+s5], $0x50, $0x38;
	[tilespmem:$0x19200] =	vst v63  }
0x84: {  	_ =	swait.ge [sflag:s4], $0x50  }
0x85: {  	[sflag:s4] =	ssyncset.done $0x0  }
0x86: {  	[sflag:s4] =	ssyncadd.s32 $0xFFFFFFB0  }
0x87: {  	_ =	swait.ge [sflag:s4], $0x50  }
0x88: {  	[sflag:s4] =	ssyncset.done $0x0  }
0x89: {  	[sflag:s4] =	ssyncadd.s32 $0xFFFFFFB0  }
0x8a: {  	[tilespmem:s28], [sflag:$0x1] =	stream.indirect.gather [hbm4b:s1+s7], $0x80, s5, s7, $0xb8;
	[tilespmem:$0x19200] =	vst v63  }
0x8b: {  	_ =	swait.ge [sflag:s11], $0x2800  }
0x8c: {  	[sflag:s11] =	ssyncset.done $0x0  }
0x8d: {  	[sflag:s11] =	ssyncadd.s32 $0xFFFFD800  }
0x8e: {  	[spmem:s3] =	stream.indirect.scatter.add.f32 [tilespmem:s9], [sflag:$0x5], $0x80, s0, s7, $0xb8;
	[tilespmem:$0x19200] =	vst v63  }
.Ltmp0:
0x8f: {  	_ =	swait.ge [sflag:s29], $0x2800;
	(pc) =	sbr.rel @p0 .LBB2_2-.Ltmp0, $4  }
0x90: {  	[sflag:s29] =	ssyncset.done $0x0  }
0x91: {  	s17 =	sadd.s32 s16, s24;
	[sflag:s29] =	ssyncadd.s32 $0xFFFFD800  }
0x92: {  	[tilespmem:s31], [sflag:$0x4] =	stream.linear.gather [hbm4b:s17+s5], $0x50, $0x38;
	[tilespmem:$0x19200] =	vst v63  }
0x93: {  	s15 =	sadd.s32 $0xA0, s15;
	s16 =	sadd.s32 s16, s23  }
0x94: {  	[tilespmem:s0], [sflag:$0x4] =	stream.linear.gather [hbm4b:s16+s5], $0x50, $0x38;
	[tilespmem:$0x19200] =	vst v63  }
0x95: {  	_ =	swait.ge [sflag:s8], $0x50  }
0x96: {  	[sflag:s8] =	ssyncset.done $0x0  }
0x97: {  	[sflag:s8] =	ssyncadd.s32 $0xFFFFFFB0  }
0x98: {  	_ =	swait.ge [sflag:s8], $0x50  }
0x99: {  	[sflag:s8] =	ssyncset.done $0x0  }
0x9a: {  	[sflag:s8] =	ssyncadd.s32 $0xFFFFFFB0  }
0x9b: {  	[tilespmem:s9], [sflag:$0x2] =	stream.indirect.gather [hbm4b:s1+s7], $0x80, s31, s7, $0xb8;
	[tilespmem:$0x19200] =	vst v63  }
0x9c: {  	_ =	swait.ge [sflag:s10], $0x2800  }
0x9d: {  	[sflag:s10] =	ssyncset.done $0x0  }
0x9e: {  	[sflag:s10] =	ssyncadd.s32 $0xFFFFD800  }
0x9f: {  	[spmem:s3] =	stream.indirect.scatter.add.f32 [tilespmem:s28], [sflag:$0x5], $0x80, s30, s7, $0xb8;
	[tilespmem:$0x19200] =	vst v63  }
0xa0: {  	_ =	swait.ge [sflag:s29], $0x2800  }
0xa1: {  	[sflag:s29] =	ssyncset.done $0x0  }
0xa2: {  	[sflag:s29] =	ssyncadd.s32 $0xFFFFD800  }
0xa3: {  	[tilespmem:s5], [sflag:$0x3] =	stream.linear.gather [hbm4b:s21+s5], $0x50, $0x38;
	[tilespmem:$0x19200] =	vst v63  }
0xa4: {  	_ = 	snop  }
0xa5: {  	[tilespmem:s30], [sflag:$0x3] =	stream.linear.gather [hbm4b:s22+s5], $0x50, $0x38;
	[tilespmem:$0x19200] =	vst v63  }
0xa6: {  	_ =	swait.ge [sflag:s4], $0x50  }
0xa7: {  	[sflag:s4] =	ssyncset.done $0x0  }
0xa8: {  	[sflag:s4] =	ssyncadd.s32 $0xFFFFFFB0  }
0xa9: {  	_ =	swait.ge [sflag:s4], $0x50  }
0xaa: {  	[sflag:s4] =	ssyncset.done $0x0  }
0xab: {  	[sflag:s4] =	ssyncadd.s32 $0xFFFFFFB0  }
0xac: {  	[tilespmem:s28], [sflag:$0x1] =	stream.indirect.gather [hbm4b:s1+s7], $0x80, s5, s7, $0xb8;
	[tilespmem:$0x19200] =	vst v63  }
0xad: {  	_ =	swait.ge [sflag:s11], $0x2800  }
0xae: {  	[sflag:s11] =	ssyncset.done $0x0  }
0xaf: {  	[sflag:s11] =	ssyncadd.s32 $0xFFFFD800  }
0xb0: {  	[spmem:s3] =	stream.indirect.scatter.add.f32 [tilespmem:s9], [sflag:$0x5], $0x80, s0, s7, $0xb8;
	[tilespmem:$0x19200] =	vst v63  }
0xb1: {  	_ =	swait.ge [sflag:s29], $0x2800  }
0xb2: {  	[sflag:s29] =	ssyncset.done $0x0  }
0xb3: {  	[sflag:s29] =	ssyncadd.s32 $0xFFFFD800  }
0xb4: {  	_ =	swait.ge [sflag:s10], $0x2800  }
0xb5: {  	[sflag:s10] =	ssyncset.done $0x0  }
0xb6: {  	[sflag:s10] =	ssyncadd.s32 $0xFFFFD800  }
0xb7: {  	[spmem:s3] =	stream.indirect.scatter.add.f32 [tilespmem:s28], [sflag:$0x5], $0x80, s30, s7, $0xb8;
	[tilespmem:$0x19200] =	vst v63  }
0xb8: {  	_ =	swait.ge [sflag:s29], $0x2800  }
0xb9: {  	[sflag:s29] =	ssyncset.done $0x0  }
0xba: {  	s14 =	stileid.u32;
	[sflag:s29] =	ssyncadd.s32 $0xFFFFD800  }
0xbb: {  	s14 =	sshll.u32 s14, $0x6;
	[bflag:$0x0] =	sbarrier.arrive $0xFFFF  }
0xbc: {  	s15 =	sshrl.u32 s12, $0x3;
	s14 =	sor.u32 $0x1C05, s14;
	s17 =	rddreg [dreg:$0xa]  }
0xbd: {  	[hbm:s17], [sflag:s14] =	dma.local [spmem:s15], $0x2800  }
0xbe: {  	_ =	swait.ge [sflag:s29], $0x2800  }
0xbf: {  	s13 =	sadd.s32 $0x1, s13;
	s18 =	rddreg [dreg:$0xb]  }
0xc0: {  	p0 =	sne.s32 s13, s18  }
.Ltmp1:
0xc1: {  	_ = 	snop;
	(pc) =	sbr.rel @p0 .LBB2_1-.Ltmp1, $3  }
0xc2: {  	_ =	sdelay $0x1  }
0xc3: {  	[sflag:s29] =	ssyncset.done $0x0  }
0xc4: {  	[sflag:s29] =	ssyncadd.s32 $0xFFFFD800  }
0xc5: {  	_ =	sfence.sel $0x180000  }
0xc6: {  	[bflag:$0x0] =	sbarrier.arrive $0xFFFF  }
0xc7: {  	_ =	strace $0x9000004A  }
0xc8: {  	s0 =	stileid.u32;
	[bflag:$0x2] =	sbarrier.arrive $0xFFFF  }
0xc9: {  	p0 =	sne.s32 s0, $0x0;
	s0 =	rddreg [dreg:$0x4]  }
0xca: {  	s0 =	sadd.s32 @!p0 $0x100000, s0  }
0xcb: {  	[sflag:s0] =	ssyncadd.tile.s32 @!p0 $0x1;
	_ =	shalt  }
.Lfunc_end2:
_tile_overlayer_lowered:
.L_overlay_start_2:
0xcc: {  	(tag) =	ssettag $0x2  }
0xcd: {  	s0 =	rddreg [dreg:$0x0];
	s2 =	stileid.u32  }
0xce: {  	s1 =	rddreg [dreg:$0x1];
	p0 =	sne.s32 s2, $0x0  }
0xcf: {  	s3 =	rddreg [dreg:$0x2];
	[bflag:$0x3] =	sbarrier.arrive $0xFFFF;
	s2 =	simm.s32 @!p0 $0x1C05  }
0xd0: {  	[timem:s3], [sflag:s2] =	dma.local @!p0 [hbm:s0], s1  }
0xd1: {  	s0 =	simm.s32 @!p0 $0x5  }
0xd2: {  	_ =	swait.ge @!p0 [sflag:s0], s1  }
0xd3: {  	s1 =	ssub.s32 @!p0 $0x0, s1;
	[sflag:s0] =	ssyncset.done @!p0 $0x0  }
0xd4: {  	[sflag:s0] =	ssyncadd.s32 @!p0 s1  }
0xd5: {  	[bflag:$0x3] =	sbarrier.arrive $0xFFFF  }
0xd6: {  	_ =	shalt  }

// kernel: kernel.15.cloned.1.call-start
scs
__scs_entry_jumppad:
0x0: {  	(pc) =	sbr.rel $0x88, $3  }
0x1: {  	(tag) =	ssettag $0x0;
	lr =	simm.s32 $0x1  }
0x2: {  	[smem:$0x3F90] =	sst lr;
	_ =	strace $0xD0000000  }
0x3: {  	_ = 	snop  }
0x4: {  	_ = 	snop  }
0x5: {  	_ = 	snop  }
0x6: {  	_ = 	snop  }
0x7: {  	_ = 	snop  }
__scs_overlays_trampoline_lowered:
0x8: {  	[smem:$0x3F9F] =	sst s0  }
0x9: {  	[smem:$0x3FA0] =	sst s1  }
0xa: {  	[smem:$0x3FA1] =	sst s2  }
0xb: {  	[smem:$0x3FA2] =	sst s3  }
0xc: {  	[smem:$0x3FA3] =	sst s4  }
0xd: {  	[smem:$0x3FA4] =	sst s5  }
0xe: {  	[smem:$0x3FA5] =	sst s6  }
0xf: {  	[smem:$0x3FA6] =	sst s7  }
0x10: {  	[smem:$0x3FA7] =	sst s8  }
0x11: {  	[smem:$0x3FA8] =	sst s9;
	s0 =	simm.s32 @!p0 $0x0  }
0x12: {  	s1 =	sld [smem:$0x3F8E];
	s0 =	simm.s32 @p0 $0x1  }
0x13: {  	[smem:$0x3FA9] =	sst s0;
	s0 =	simm.s32 @!p1 $0x0  }
0x14: {  	s2 =	sld [smem:$0x3F8D];
	s0 =	simm.s32 @p1 $0x1  }
0x15: {  	[smem:$0x3FAA] =	sst s0;
	s0 =	simm.s32 @!p2 $0x0  }
0x16: {  	s3 =	sld [smem:$0x3FDB];
	s0 =	simm.s32 @p2 $0x1  }
0x17: {  	s4 =	simm.s32 $0x1BF5;
	[smem:$0x3FAC] =	sst s0  }
0x18: {  	s0 =	sld [smem:$0x3F8F];
	_ =	swait.ge [sflag:s4], $0x0  }
0x19: {  	s7 =	sld [smem:$0x3F90]  }
0x1a: {  	s8 =	sadd.s32 $0xFFFFE003, lr  }
0x1b: {  	s9 =	sadd.s32 $0xFFFFFEF7, lr;
	s5 =	simm.s32 $0xFFFFFFFF;
	p2 =	slt.u32 s8, $0xFFFFF086  }
0x1c: {  	p1 =	slt.u32 s9, $0xF7A;
	s5 =	simm.s32 @!p2 $0x0  }
0x1d: {  	s5 =	simm.s32 @p1 $0x1;
	p0 =	seq.s32 s7, s2  }
0x1e: {  	s7 =	smul.u32 @!p0 $0xF7A, s2;
	p2 =	seq.s32 @!p0 s5, $0x0  }
0x1f: {  	s9 =	smul.u32 $0xF7A, s1;
	s8 =	simm.s32 @!p0 $0x1BF5;
	p2 =	por !p2, p0  }
0x20: {  	[sflag:s8] =	ssyncset.s32 @!p0 $0xFFFFF086;
	s6 =	sadd.s32 @!p0 s3, s7;
	s7 =	simm.s32 @!p0 $0x108  }
0x21: {  	s3 =	sadd.s32 s3, s9;
	s6 =	sadd.s32 @!p0 $0x88, s6;
	s7 =	simm.s32 @p2 $0x1082  }
0x22: {  	[simem:s7], [sflag:s8] =	dma.local @!p0 [hbm:s6], $0xF7A  }
0x23: {  	s9 =	sor.u32 $0xD0000000, s2;
	s6 =	simm.s32 $0x108;
	_ =	swait.ge @!p0 [sflag:s8], $0x0  }
0x24: {  	s3 =	sadd.s32 $0x88, s3;
	s6 =	simm.s32 @!p1 $0x1082;
	[sflag:s4] =	ssyncset.s32 $0xFFFFF086  }
0x25: {  	[simem:s6], [sflag:s4] =	dma.local [hbm:s3], $0xF7A  }
0x26: {  	[smem:$0x3F90] =	sst s1;
	(tag) =	ssettag s2;
	_ =	strace s9  }
0x27: {  	s1 =	sld [smem:$0x3FA0]  }
0x28: {  	s2 =	sld [smem:$0x3FA1]  }
0x29: {  	s4 =	sld [smem:$0x3FA3]  }
0x2a: {  	p0 =	seq.s32 s5, $0x0;
	s5 =	sld [smem:$0x3FA4]  }
0x2b: {  	s6 =	sld [smem:$0x3FA5]  }
0x2c: {  	s7 =	sld [smem:$0x3FA6]  }
0x2d: {  	s3 =	simm.s32 $0x108;
	s8 =	sld [smem:$0x3FA7]  }
0x2e: {  	s3 =	simm.s32 @!p0 $0x1082;
	s9 =	sld [smem:$0x3FA8]  }
0x2f: {  	lr =	sadd.s32 s0, s3;
	s0 =	sld [smem:$0x3F9F]  }
0x30: {  	s3 =	sld [smem:$0x3FA2]  }
0x31: {  	[smem:$0x3FAB] =	sst s10  }
0x32: {  	s10 =	sld [smem:$0x3FA9];
	_ =	sdelay $0x3  }
0x33: {  	p0 =	seq.s32 s10, $0x1;
	s10 =	sld [smem:$0x3FAB];
	_ =	sdelay $0x3  }
0x34: {  	[smem:$0x3FAB] =	sst s10  }
0x35: {  	s10 =	sld [smem:$0x3FAA];
	_ =	sdelay $0x3  }
0x36: {  	p1 =	seq.s32 s10, $0x1;
	s10 =	sld [smem:$0x3FAB];
	_ =	sdelay $0x3  }
0x37: {  	[smem:$0x3FAB] =	sst s10  }
0x38: {  	s10 =	sld [smem:$0x3FAC]  }
0x39: {  	_ = 	snop;
	(pc) =	sbr.ind lr, $3  }
0x3a: {  	_ = 	snop  }
0x3b: {  	_ = 	snop  }
0x3c: {  	p2 =	seq.s32 s10, $0x1;
	s10 =	sld [smem:$0x3FAB]  }
0x3d: {  	_ =	shalt  }
0x3e: {  	_ =	shalt  }
0x3f: {  	_ =	shalt  }
0x40: {  	_ =	shalt  }
0x41: {  	_ =	shalt  }
0x42: {  	_ =	shalt  }
0x43: {  	_ =	shalt  }
0x44: {  	_ =	shalt  }
0x45: {  	_ =	shalt  }
0x46: {  	_ =	shalt  }
0x47: {  	_ =	shalt  }
0x48: {  	_ =	shalt  }
0x49: {  	_ =	shalt  }
0x4a: {  	_ =	shalt  }
0x4b: {  	_ =	shalt  }
0x4c: {  	_ =	shalt  }
0x4d: {  	_ =	shalt  }
0x4e: {  	_ =	shalt  }
0x4f: {  	_ =	shalt  }
0x50: {  	_ =	shalt  }
0x51: {  	_ =	shalt  }
0x52: {  	_ =	shalt  }
0x53: {  	_ =	shalt  }
0x54: {  	_ =	shalt  }
0x55: {  	_ =	shalt  }
0x56: {  	_ =	shalt  }
0x57: {  	_ =	shalt  }
0x58: {  	_ =	shalt  }
0x59: {  	_ =	shalt  }
0x5a: {  	_ =	shalt  }
0x5b: {  	_ =	shalt  }
0x5c: {  	_ =	shalt  }
0x5d: {  	_ =	shalt  }
0x5e: {  	_ =	shalt  }
0x5f: {  	_ =	shalt  }
0x60: {  	_ =	shalt  }
0x61: {  	_ =	shalt  }
0x62: {  	_ =	shalt  }
0x63: {  	_ =	shalt  }
0x64: {  	_ =	shalt  }
0x65: {  	_ =	shalt  }
0x66: {  	_ =	shalt  }
0x67: {  	_ =	shalt  }
0x68: {  	_ =	shalt  }
0x69: {  	_ =	shalt  }
0x6a: {  	_ =	shalt  }
0x6b: {  	_ =	shalt  }
0x6c: {  	_ =	shalt  }
0x6d: {  	_ =	shalt  }
0x6e: {  	_ =	shalt  }
0x6f: {  	_ =	shalt  }
0x70: {  	_ =	shalt  }
0x71: {  	_ =	shalt  }
0x72: {  	_ =	shalt  }
0x73: {  	_ =	shalt  }
0x74: {  	_ =	shalt  }
0x75: {  	_ =	shalt  }
0x76: {  	_ =	shalt  }
0x77: {  	_ =	shalt  }
0x78: {  	_ =	shalt  }
0x79: {  	_ =	shalt  }
0x7a: {  	_ =	shalt  }
0x7b: {  	_ =	shalt  }
0x7c: {  	_ =	shalt  }
0x7d: {  	_ =	shalt  }
0x7e: {  	_ =	shalt  }
0x7f: {  	_ =	shalt  }
0x80: {  	_ =	shalt  }
0x81: {  	_ =	shalt  }
0x82: {  	_ =	shalt  }
0x83: {  	_ =	shalt  }
0x84: {  	_ =	shalt  }
0x85: {  	_ =	shalt  }
0x86: {  	_ =	shalt  }
0x87: {  	_ =	shalt  }
.Lfunc_end0:
.L_simem_size_0:
called_computation.2_lowered:
.L_overlay_start_0:
0x88: {  	s2 =	sld [smem:$0x3FD9]  }
0x89: {  	s3 =	sld [smem:$0x3FFE];
	_ =	sdelay $0x1  }
0x8a: {  	s1 =	srdreg.scid  }
0x8b: {  	s0 =	sand.u32 $0x1, s1  }
0x8c: {  	s14 =	sshll.u32 s0, $0xA;
	s2 =	sadd.s32 s3, s2  }
0x8d: {  	s2 =	sadd.s32 s2, s14  }
0x8e: {  	[smem:$0x3FB7] =	sst s2  }
0x8f: {  	_ = 	snop  }
0x90: {  	s2 =	sld [smem:$0x3FD0];
	_ =	sdelay $0x2  }
0x91: {  	s15 =	simm.s32 $0xA;
	s4 =	simm.s32 $0x10  }
0x92: {  	[smem:s4], [sflag:s15] =	dma.local [hbm:s2], $0x1  }
0x93: {  	_ =	swait.eq [sflag:s15], $0x1  }
0x94: {  	[sflag:s15] =	ssyncset.done $0x0  }
0x95: {  	s16 =	sld [smem:$0x11];
	[sflag:s15] =	ssyncadd.s32 $0xFFFFFFFF  }
0x96: {  	s17 =	sld [smem:$0x12];
	(tm) =	ssettm $0x1  }
0x97: {  	s18 =	sld [smem:$0x3FFB];
	_ =	sdelay $0x3  }
0x98: {  	_ =	strace s18  }
0x99: {  	s4 =	sld [smem:$0x3FFC];
	_ =	sdelay $0x3  }
0x9a: {  	_ =	strace s4  }
0x9b: {  	s4 =	sld [smem:$0x3FFD];
	_ =	sdelay $0x3  }
0x9c: {  	_ =	strace s4  }
0x9d: {  	_ =	strace $0x8FFFFFFF  }
0x9e: {  	s19 =	sld [smem:$0x3FDB];
	_ =	sdelay $0x1  }
0x9f: {  	s5 =	simm.s32 $_scs_section_size  }
0xa0: {  	s6 =	simm.s32 $_size__tile_overlayer_lowered;
	s7 =	simm.s32 $_tile_overlayer_lowered  }
0xa1: {  	s22 =	simm.s32 $0x1BFF;
	s21 =	sshll.u32 s7, $0x1;
	s4 =	sadd.s32 s5, s19  }
0xa2: {  	s8 =	simm.s32 $0x0;
	s20 =	sshll.u32 s6, $0x1;
	s6 =	sadd.s32 s21, s4  }
0xa3: {  	[timem:s8], [sflag:s22] =	dma.local [hbm:s6], s20  }
0xa4: {  	_ =	swait.ge [sflag:s22], s20  }
0xa5: {  	s5 =	ssub.s32 $0x0, s20;
	[sflag:s22] =	ssyncset.done $0x0  }
0xa6: {  	[sflag:s22] =	ssyncadd.s32 s5;
	_ =	sdelay $0x1  }
0xa7: {  	s23 =	simm.s32 $0x1B8B  }
0xa8: {  	_ =	swait.ge [sflag:s23], $0x1  }
0xa9: {  	[sflag:s23] =	ssyncset.done $0x0  }
0xaa: {  	s25 =	simm.s32 $0x1B8E;
	s24 =	sld [smem:$0x3FFE];
	[sflag:s23] =	ssyncadd.s32 $0xFFFFFFFF  }
0xab: {  	s26 =	simm.s32 $execute0_lowered;
	[smem:$0x3FD2] =	sst s25  }
0xac: {  	s6 =	sshll.u32 s26, $0x1;
	_ =	strace $0x8000004C;
	[dreg:$0x1] =	wrdreg $0xFFFFFFFF  }
0xad: {  	s28 =	simm.s32 $_size_execute0_lowered;
	s4 =	sadd.s32 s4, s6;
	[dreg:$0x0] =	wrdreg $0x0  }
0xae: {  	s6 =	sshll.u32 s28, $0x1;
	[dreg:$0x2] =	wrdreg s4  }
0xaf: {  	[dreg:$0x3] =	wrdreg s6  }
0xb0: {  	[dreg:$0x4] =	wrdreg $0xC0  }
0xb1: {  	_ =	task [dreg:s8], $0x5FFFF  }
0xb2: {  	[dreg:$0x1] =	wrdreg $0xFFFFFFFF  }
0xb3: {  	[dreg:$0x0] =	wrdreg $0x60  }
0xb4: {  	[dreg:$0x2] =	wrdreg s16  }
0xb5: {  	[dreg:$0x3] =	wrdreg s24  }
0xb6: {  	[dreg:$0x4] =	wrdreg s17  }
0xb7: {  	[dreg:$0x5] =	wrdreg $0x52000  }
0xb8: {  	[dreg:$0x6] =	wrdreg $0x9  }
0xb9: {  	_ =	task.clear_ibuf [dreg:s8], $0x7FFFF;
	_ =	strace $0x9000004C  }
0xba: {  	s29 =	simm.s32 $0x9;
	_ =	strace $0x8000004E  }
0xbb: {  	_ =	swait.ge [sflag:s29], $0x1  }
0xbc: {  	[sflag:s29] =	ssyncadd.s32 $0xFFFFFFFF  }
0xbd: {  	_ =	strace $0x9000004E  }
0xbe: {  	_ =	sfence  }
0xbf: {  	s30 =	sld [smem:$0x0];
	_ =	sdelay $0x2  }
0xc0: {  	s31 =	sshll.u32 s1, $0xD;
	s1 =	sshrl.u32 s1, $0x2  }
0xc1: {  	s3 =	sand.u32 $0x4000, s31;
	s1 =	sadd.s32 s1, s30  }
0xc2: {  	s0 =	sor.u32 s3, s0;
	s1 =	sshll.u32 s1, $0x11  }
0xc3: {  	s0 =	sor.u32 s1, s0  }
0xc4: {  	s0 =	sadd.s32 $0x8F2B, s0  }
0xc5: {  	[sflag:s0] =	ssyncadd.remote.s32 $0x1  }
0xc6: {  	_ =	sfence.sel $0xFFFF  }
0xc7: {  	[dreg:$0x0] =	wrdreg $0xFFFFFFFF;
	(pc) =	sbr.abs _section_cstart, $3  }
0xc8: {  	[dreg:$0x1] =	wrdreg $0xFFFFFFFF  }
0xc9: {  	_ =	task.clear_ibuf [dreg:s8], $0x2FFFF;
	_ =	strace $0x9FFFFFFF  }
0xca: {  	(tm) =	ssettm $0x7FFFFFFF  }
0xcb: {  	_ =	shalt  }
tec
execute0_lowered:
.L_overlay_start_1:
0x0: {  	(tag) =	ssettag $0x1  }
0x1: {  	s1 =	rddreg [dreg:$0x0]  }
0x2: {  	s0 =	rddreg [dreg:$0x1]  }
0x3: {  	s2 =	rddreg [dreg:$0x2]  }
0x4: {  	s3 =	rddreg [dreg:$0x3];
	s4 =	srdreg.scid;
	s5 =	simm.s32 $0x0  }
0x5: {  	s11 =	stileid.u32;
	s28 =	simm.s32 $0x200;
	s29 =	simm.s32 $0x5  }
0x6: {  	s30 =	simm.s32 $0x80;
	s31 =	simm.s32 $0x100;
	s8 =	smul.u32 $0x14000, s11  }
0x7: {  	s4 =	sand.u32 $0x1, s4;
	[smem:$0x7FF] =	sst s5;
	s23 =	smul.u32 $0x50000, s11  }
0x8: {  	s6 =	sadd.s32 $0x3200, s0;
	s10 =	sadd.s32 $0xD000, s0;
	s13 =	smul.u32 $0x2710, s11  }
0x9: {  	s7 =	smul.u32 $0x140000, s4;
	_ =	strace $0x8000004D;
	s9 =	sshll.u32 s4, $0x4  }
0xa: {  	s21 =	ssub.s32 $0x2, s4;
	s4 =	smul.u32 $0x27100, s4;
	s20 =	sor.u32 s11, s9  }
0xb: {  	[dreg:$0x5] =	wrdreg s10;
	s7 =	sadd.s32 s8, s7;
	s8 =	smul.u32 $0x2710, s20  }
0xc: {  	s22 =	sshrl.u32 s21, $0x1;
	s9 =	sshrl.u32 s23, $0x2;
	s11 =	simm.s32 $0x2  }
0xd: {  	s18 =	sadd.s32 s13, s4;
	s7 =	sshrl.u32 s7, $0x3;
	s8 =	sshrl.u32 s8, $0x3  }
0xe: {  	s13 =	simm.s32 $0x0;
	s0 =	sadd.s32 s7, s0;
	s24 =	sadd.s32 s6, s8  }
0xf: {  	s7 =	ssub.s32 s21, s22;
	s25 =	sadd.s32 s2, s8;
	[dreg:$0x6] =	wrdreg s24  }
0x10: {  	s26 =	sadd.s32 $0xA, s8;
	s0 =	sadd.s32 $0xD600, s0;
	[dreg:$0x7] =	wrdreg s25  }
0x11: {  	s14 =	smax.u32 s7, $0x1;
	s7 =	simm.s32 $0x50;
	[dreg:$0xa] =	wrdreg s0  }
0x12: {  	s12 =	sadd.s32 s6, s26;
	s10 =	sadd.s32 s2, s26;
	[dreg:$0xb] =	wrdreg s14  }
0x13: {  	s25 =	sadd.s32 $0xF0, s18;
	s26 =	sadd.s32 $0x4D8, s8;
	[dreg:$0x8] =	wrdreg s12  }
0x14: {  	s0 =	simm.s32 $0x180;
	s8 =	simm.s32 $0x4;
	[dreg:$0x9] =	wrdreg s10  }
0x15: {  	s12 =	sadd.s32 s9, s3;
	s4 =	sshrl.u32 s25, $0x3;
	s21 =	sadd.s32 s6, s26  }
0x16: {  	s22 =	sadd.s32 s2, s26;
	s25 =	sadd.s32 $0xA0, s18;
	s9 =	simm.s32 $0x2A00  }
0x17: {  	s10 =	simm.s32 $0x1;
	s15 =	sadd.s32 $0x2800, s12;
	s16 =	sadd.s32 $0x5000, s12  }
0x18: {  	s17 =	sadd.s32 $0x7800, s12;
	s24 =	sadd.s32 $0xA000, s12;
	[dreg:$0xc] =	wrdreg s15  }
0x19: {  	s19 =	sadd.s32 $0xC800, s12;
	s20 =	sadd.s32 $0xF000, s12;
	[dreg:$0xd] =	wrdreg s16  }
0x1a: {  	s23 =	sadd.s32 s4, s2;
	s26 =	sadd.s32 $0x11800, s12;
	[dreg:$0xe] =	wrdreg s17  }
0x1b: {  	[dreg:$0xf] =	wrdreg s24;
	s24 =	sadd.s32 s4, s6;
	s4 =	simm.s32 $0x3  }
.LBB2_1:
0x1c: {  	s14 =	rddreg [dreg:$0x5]  }
0x1d: {  	[tilespmem:s28], [sflag:$0x5] =	stream.linear.gather [hbm4b:s14+s5], $0x2800, $0x38;
	[tilespmem:$0x19200] =	vst v63  }
0x1e: {  	_ =	swait.ge [sflag:s29], $0x2800  }
0x1f: {  	[sflag:s29] =	ssyncset.done $0x0  }
0x20: {  	[sflag:s29] =	ssyncadd.s32 $0xFFFFD800  }
0x21: {  	[spmem:s12] =	stream.linear.scatter [tilespmem:s28], [sflag:$0x5], $0x2800, $0x38;
	[tilespmem:$0x19200] =	vst v63  }
0x22: {  	_ =	swait.ge [sflag:s29], $0x2800  }
0x23: {  	[sflag:s29] =	ssyncset.done $0x0  }
0x24: {  	s17 =	rddreg [dreg:$0xc];
	[sflag:s29] =	ssyncadd.s32 $0xFFFFD800  }
0x25: {  	[spmem:s17] =	stream.linear.scatter [tilespmem:s28], [sflag:$0x5], $0x2800, $0x38;
	[tilespmem:$0x19200] =	vst v63  }
0x26: {  	_ =	swait.ge [sflag:s29], $0x2800  }
0x27: {  	[sflag:s29] =	ssyncset.done $0x0  }
0x28: {  	s18 =	rddreg [dreg:$0xd];
	[sflag:s29] =	ssyncadd.s32 $0xFFFFD800  }
0x29: {  	[spmem:s18] =	stream.linear.scatter [tilespmem:s28], [sflag:$0x5], $0x2800, $0x38;
	[tilespmem:$0x19200] =	vst v63  }
0x2a: {  	_ =	swait.ge [sflag:s29], $0x2800  }
0x2b: {  	[sflag:s29] =	ssyncset.done $0x0  }
0x2c: {  	s15 =	rddreg [dreg:$0xe];
	[sflag:s29] =	ssyncadd.s32 $0xFFFFD800  }
0x2d: {  	[spmem:s15] =	stream.linear.scatter [tilespmem:s28], [sflag:$0x5], $0x2800, $0x38;
	[tilespmem:$0x19200] =	vst v63  }
0x2e: {  	_ =	swait.ge [sflag:s29], $0x2800  }
0x2f: {  	[sflag:s29] =	ssyncset.done $0x0  }
0x30: {  	s16 =	rddreg [dreg:$0xf];
	[sflag:s29] =	ssyncadd.s32 $0xFFFFD800  }
0x31: {  	[spmem:s16] =	stream.linear.scatter [tilespmem:s28], [sflag:$0x5], $0x2800, $0x38;
	[tilespmem:$0x19200] =	vst v63  }
0x32: {  	_ =	swait.ge [sflag:s29], $0x2800  }
0x33: {  	[sflag:s29] =	ssyncset.done $0x0  }
0x34: {  	[sflag:s29] =	ssyncadd.s32 $0xFFFFD800  }
0x35: {  	[spmem:s19] =	stream.linear.scatter [tilespmem:s28], [sflag:$0x5], $0x2800, $0x38;
	[tilespmem:$0x19200] =	vst v63  }
0x36: {  	_ =	swait.ge [sflag:s29], $0x2800  }
0x37: {  	[sflag:s29] =	ssyncset.done $0x0  }
0x38: {  	[sflag:s29] =	ssyncadd.s32 $0xFFFFD800  }
0x39: {  	[spmem:s20] =	stream.linear.scatter [tilespmem:s28], [sflag:$0x5], $0x2800, $0x38;
	[tilespmem:$0x19200] =	vst v63  }
0x3a: {  	_ =	swait.ge [sflag:s29], $0x2800  }
0x3b: {  	[sflag:s29] =	ssyncset.done $0x0  }
0x3c: {  	[sflag:s29] =	ssyncadd.s32 $0xFFFFD800  }
0x3d: {  	[spmem:s26] =	stream.linear.scatter [tilespmem:s28], [sflag:$0x5], $0x2800, $0x38;
	[tilespmem:$0x19200] =	vst v63  }
0x3e: {  	_ =	swait.ge [sflag:s29], $0x2800  }
0x3f: {  	[sflag:s29] =	ssyncset.done $0x0  }
0x40: {  	[sflag:s29] =	ssyncadd.s32 $0xFFFFD800  }
0x41: {  	[bflag:$0x0] =	sbarrier.arrive $0xFFFF  }
0x42: {  	s17 =	rddreg [dreg:$0x6]  }
0x43: {  	[tilespmem:s5], [sflag:$0x3] =	stream.linear.gather [hbm4b:s17+s5], $0x50, $0x38;
	[tilespmem:$0x19200] =	vst v63  }
0x44: {  	s18 =	rddreg [dreg:$0x7]  }
0x45: {  	[tilespmem:s30], [sflag:$0x3] =	stream.linear.gather [hbm4b:s18+s5], $0x50, $0x38;
	[tilespmem:$0x19200] =	vst v63  }
0x46: {  	s15 =	rddreg [dreg:$0x8]  }
0x47: {  	[tilespmem:s31], [sflag:$0x4] =	stream.linear.gather [hbm4b:s15+s5], $0x50, $0x38;
	[tilespmem:$0x19200] =	vst v63  }
0x48: {  	s16 =	rddreg [dreg:$0x9]  }
0x49: {  	[tilespmem:s0], [sflag:$0x4] =	stream.linear.gather [hbm4b:s16+s5], $0x50, $0x38;
	[tilespmem:$0x19200] =	vst v63  }
0x4a: {  	_ =	swait.ge [sflag:s4], $0x50  }
0x4b: {  	[sflag:s4] =	ssyncset.done $0x0  }
0x4c: {  	[sflag:s4] =	ssyncadd.s32 $0xFFFFFFB0  }
0x4d: {  	_ =	swait.ge [sflag:s4], $0x50  }
0x4e: {  	[sflag:s4] =	ssyncset.done $0x0  }
0x4f: {  	[sflag:s4] =	ssyncadd.s32 $0xFFFFFFB0  }
0x50: {  	[tilespmem:s28], [sflag:$0x1] =	stream.indirect.gather [hbm4b:s1+s7], $0x80, s5, s7, $0xb8;
	[tilespmem:$0x19200] =	vst v63  }
0x51: {  	_ =	swait.ge [sflag:s8], $0x50  }
0x52: {  	[sflag:s8] =	ssyncset.done $0x0  }
0x53: {  	[sflag:s8] =	ssyncadd.s32 $0xFFFFFFB0  }
0x54: {  	_ =	swait.ge [sflag:s8], $0x50  }
0x55: {  	[sflag:s8] =	ssyncset.done $0x0  }
0x56: {  	[sflag:s8] =	ssyncadd.s32 $0xFFFFFFB0  }
0x57: {  	[tilespmem:s9], [sflag:$0x2] =	stream.indirect.gather [hbm4b:s1+s7], $0x80, s31, s7, $0xb8;
	[tilespmem:$0x19200] =	vst v63  }
0x58: {  	_ =	swait.ge [sflag:s10], $0x2800  }
0x59: {  	[sflag:s10] =	ssyncset.done $0x0  }
0x5a: {  	[sflag:s10] =	ssyncadd.s32 $0xFFFFD800  }
0x5b: {  	[spmem:s3] =	stream.indirect.scatter.add.f32 [tilespmem:s28], [sflag:$0x5], $0x80, s30, s7, $0xb8;
	[tilespmem:$0x19200] =	vst v63  }
0x5c: {  	_ =	swait.ge [sflag:s29], $0x2800  }
0x5d: {  	s17 =	sshrl.u32 s25, $0x3;
	[sflag:s29] =	ssyncset.done $0x0  }
0x5e: {  	s15 =	sadd.s32 s6, s17;
	[sflag:s29] =	ssyncadd.s32 $0xFFFFD800  }
0x5f: {  	[tilespmem:s5], [sflag:$0x3] =	stream.linear.gather [hbm4b:s15+s5], $0x50, $0x38;
	[tilespmem:$0x19200] =	vst v63  }
0x60: {  	s14 =	sadd.s32 s2, s17  }
0x61: {  	[tilespmem:s30], [sflag:$0x3] =	stream.linear.gather [hbm4b:s14+s5], $0x50, $0x38;
	[tilespmem:$0x19200] =	vst v63  }
0x62: {  	_ =	swait.ge [sflag:s4], $0x50  }
0x63: {  	[sflag:s4] =	ssyncset.done $0x0  }
0x64: {  	[sflag:s4] =	ssyncadd.s32 $0xFFFFFFB0  }
0x65: {  	_ =	swait.ge [sflag:s4], $0x50  }
0x66: {  	[sflag:s4] =	ssyncset.done $0x0  }
0x67: {  	[sflag:s4] =	ssyncadd.s32 $0xFFFFFFB0  }
0x68: {  	[tilespmem:s28], [sflag:$0x1] =	stream.indirect.gather [hbm4b:s1+s7], $0x80, s5, s7, $0xb8;
	[tilespmem:$0x19200] =	vst v63  }
0x69: {  	_ =	swait.ge [sflag:s11], $0x2800  }
0x6a: {  	[sflag:s11] =	ssyncset.done $0x0  }
0x6b: {  	[sflag:s11] =	ssyncadd.s32 $0xFFFFD800  }
0x6c: {  	[spmem:s3] =	stream.indirect.scatter.add.f32 [tilespmem:s9], [sflag:$0x5], $0x80, s0, s7, $0xb8;
	[tilespmem:$0x19200] =	vst v63  }
0x6d: {  	_ =	swait.ge [sflag:s29], $0x2800  }
0x6e: {  	s18 =	sadd.s32 $0x0, s24;
	s16 =	sadd.s32 $0x0, s23;
	[sflag:s29] =	ssyncset.done $0x0  }
0x6f: {  	s15 =	sadd.s32 $0xA0, s25;
	s14 =	simm.s32 $0x14;
	[sflag:s29] =	ssyncadd.s32 $0xFFFFD800  }
0x70: {  	[tilespmem:s31], [sflag:$0x4] =	stream.linear.gather [hbm4b:s18+s5], $0x50, $0x38;
	[tilespmem:$0x19200] =	vst v63  }
.LBB2_2:
0x71: {  	[tilespmem:s0], [sflag:$0x4] =	stream.linear.gather [hbm4b:s16+s5], $0x50, $0x38;
	[tilespmem:$0x19200] =	vst v63  }
0x72: {  	s16 =	smov.u32 s14  }
0x73: {  	p0 =	sne.s32 s14, $0x4B0;
	s14 =	sadd.s32 $0x14, s14;
	_ =	swait.ge [sflag:s8], $0x50  }
0x74: {  	[sflag:s8] =	ssyncset.done $0x0  }
0x75: {  	[sflag:s8] =	ssyncadd.s32 $0xFFFFFFB0  }
0x76: {  	_ =	swait.ge [sflag:s8], $0x50  }
0x77: {  	[sflag:s8] =	ssyncset.done $0x0  }
0x78: {  	[sflag:s8] =	ssyncadd.s32 $0xFFFFFFB0  }
0x79: {  	[tilespmem:s9], [sflag:$0x2] =	stream.indirect.gather [hbm4b:s1+s7], $0x80, s31, s7, $0xb8;
	[tilespmem:$0x19200] =	vst v63  }
0x7a: {  	_ =	swait.ge [sflag:s10], $0x2800  }
0x7b: {  	[sflag:s10] =	ssyncset.done $0x0  }
0x7c: {  	[sflag:s10] =	ssyncadd.s32 $0xFFFFD800  }
0x7d: {  	[spmem:s3] =	stream.indirect.scatter.add.f32 [tilespmem:s28], [sflag:$0x5], $0x80, s30, s7, $0xb8;
	[tilespmem:$0x19200] =	vst v63  }
0x7e: {  	_ =	swait.ge [sflag:s29], $0x2800  }
0x7f: {  	s17 =	sshrl.u32 s15, $0x3;
	[sflag:s29] =	ssyncset.done $0x0  }
0x80: {  	s18 =	sadd.s32 s6, s17;
	[sflag:s29] =	ssyncadd.s32 $0xFFFFD800  }
0x81: {  	[tilespmem:s5], [sflag:$0x3] =	stream.linear.gather [hbm4b:s18+s5], $0x50, $0x38;
	[tilespmem:$0x19200] =	vst v63  }
0x82: {  	s17 =	sadd.s32 s2, s17  }
0x83: {  	[tilespmem:s30], [sflag:$0x3] =	stream.linear.gather [hbm4b:s17+s5], $0x50, $0x38;
	[tilespmem:$0x19200] =	vst v63  }
0x84: {  	_ =	swait.ge [sflag:s4], $0x50  }
0x85: {  	[sflag:s4] =	ssyncset.done $0x0  }
0x86: {  	[sflag:s4] =	ssyncadd.s32 $0xFFFFFFB0  }
0x87: {  	_ =	swait.ge [sflag:s4], $0x50  }
0x88: {  	[sflag:s4] =	ssyncset.done $0x0  }
0x89: {  	[sflag:s4] =	ssyncadd.s32 $0xFFFFFFB0  }
0x8a: {  	[tilespmem:s28], [sflag:$0x1] =	stream.indirect.gather [hbm4b:s1+s7], $0x80, s5, s7, $0xb8;
	[tilespmem:$0x19200] =	vst v63  }
0x8b: {  	_ =	swait.ge [sflag:s11], $0x2800  }
0x8c: {  	[sflag:s11] =	ssyncset.done $0x0  }
0x8d: {  	[sflag:s11] =	ssyncadd.s32 $0xFFFFD800  }
0x8e: {  	[spmem:s3] =	stream.indirect.scatter.add.f32 [tilespmem:s9], [sflag:$0x5], $0x80, s0, s7, $0xb8;
	[tilespmem:$0x19200] =	vst v63  }
.Ltmp0:
0x8f: {  	_ =	swait.ge [sflag:s29], $0x2800;
	(pc) =	sbr.rel @p0 .LBB2_2-.Ltmp0, $4  }
0x90: {  	[sflag:s29] =	ssyncset.done $0x0  }
0x91: {  	s17 =	sadd.s32 s16, s24;
	[sflag:s29] =	ssyncadd.s32 $0xFFFFD800  }
0x92: {  	[tilespmem:s31], [sflag:$0x4] =	stream.linear.gather [hbm4b:s17+s5], $0x50, $0x38;
	[tilespmem:$0x19200] =	vst v63  }
0x93: {  	s15 =	sadd.s32 $0xA0, s15;
	s16 =	sadd.s32 s16, s23  }
0x94: {  	[tilespmem:s0], [sflag:$0x4] =	stream.linear.gather [hbm4b:s16+s5], $0x50, $0x38;
	[tilespmem:$0x19200] =	vst v63  }
0x95: {  	_ =	swait.ge [sflag:s8], $0x50  }
0x96: {  	[sflag:s8] =	ssyncset.done $0x0  }
0x97: {  	[sflag:s8] =	ssyncadd.s32 $0xFFFFFFB0  }
0x98: {  	_ =	swait.ge [sflag:s8], $0x50  }
0x99: {  	[sflag:s8] =	ssyncset.done $0x0  }
0x9a: {  	[sflag:s8] =	ssyncadd.s32 $0xFFFFFFB0  }
0x9b: {  	[tilespmem:s9], [sflag:$0x2] =	stream.indirect.gather [hbm4b:s1+s7], $0x80, s31, s7, $0xb8;
	[tilespmem:$0x19200] =	vst v63  }
0x9c: {  	_ =	swait.ge [sflag:s10], $0x2800  }
0x9d: {  	[sflag:s10] =	ssyncset.done $0x0  }
0x9e: {  	[sflag:s10] =	ssyncadd.s32 $0xFFFFD800  }
0x9f: {  	[spmem:s3] =	stream.indirect.scatter.add.f32 [tilespmem:s28], [sflag:$0x5], $0x80, s30, s7, $0xb8;
	[tilespmem:$0x19200] =	vst v63  }
0xa0: {  	_ =	swait.ge [sflag:s29], $0x2800  }
0xa1: {  	[sflag:s29] =	ssyncset.done $0x0  }
0xa2: {  	[sflag:s29] =	ssyncadd.s32 $0xFFFFD800  }
0xa3: {  	[tilespmem:s5], [sflag:$0x3] =	stream.linear.gather [hbm4b:s21+s5], $0x50, $0x38;
	[tilespmem:$0x19200] =	vst v63  }
0xa4: {  	_ = 	snop  }
0xa5: {  	[tilespmem:s30], [sflag:$0x3] =	stream.linear.gather [hbm4b:s22+s5], $0x50, $0x38;
	[tilespmem:$0x19200] =	vst v63  }
0xa6: {  	_ =	swait.ge [sflag:s4], $0x50  }
0xa7: {  	[sflag:s4] =	ssyncset.done $0x0  }
0xa8: {  	[sflag:s4] =	ssyncadd.s32 $0xFFFFFFB0  }
0xa9: {  	_ =	swait.ge [sflag:s4], $0x50  }
0xaa: {  	[sflag:s4] =	ssyncset.done $0x0  }
0xab: {  	[sflag:s4] =	ssyncadd.s32 $0xFFFFFFB0  }
0xac: {  	[tilespmem:s28], [sflag:$0x1] =	stream.indirect.gather [hbm4b:s1+s7], $0x80, s5, s7, $0xb8;
	[tilespmem:$0x19200] =	vst v63  }
0xad: {  	_ =	swait.ge [sflag:s11], $0x2800  }
0xae: {  	[sflag:s11] =	ssyncset.done $0x0  }
0xaf: {  	[sflag:s11] =	ssyncadd.s32 $0xFFFFD800  }
0xb0: {  	[spmem:s3] =	stream.indirect.scatter.add.f32 [tilespmem:s9], [sflag:$0x5], $0x80, s0, s7, $0xb8;
	[tilespmem:$0x19200] =	vst v63  }
0xb1: {  	_ =	swait.ge [sflag:s29], $0x2800  }
0xb2: {  	[sflag:s29] =	ssyncset.done $0x0  }
0xb3: {  	[sflag:s29] =	ssyncadd.s32 $0xFFFFD800  }
0xb4: {  	_ =	swait.ge [sflag:s10], $0x2800  }
0xb5: {  	[sflag:s10] =	ssyncset.done $0x0  }
0xb6: {  	[sflag:s10] =	ssyncadd.s32 $0xFFFFD800  }
0xb7: {  	[spmem:s3] =	stream.indirect.scatter.add.f32 [tilespmem:s28], [sflag:$0x5], $0x80, s30, s7, $0xb8;
	[tilespmem:$0x19200] =	vst v63  }
0xb8: {  	_ =	swait.ge [sflag:s29], $0x2800  }
0xb9: {  	[sflag:s29] =	ssyncset.done $0x0  }
0xba: {  	s14 =	stileid.u32;
	[sflag:s29] =	ssyncadd.s32 $0xFFFFD800  }
0xbb: {  	s14 =	sshll.u32 s14, $0x6;
	[bflag:$0x0] =	sbarrier.arrive $0xFFFF  }
0xbc: {  	s15 =	sshrl.u32 s12, $0x3;
	s14 =	sor.u32 $0x1C05, s14;
	s17 =	rddreg [dreg:$0xa]  }
0xbd: {  	[hbm:s17], [sflag:s14] =	dma.local [spmem:s15], $0x2800  }
0xbe: {  	_ =	swait.ge [sflag:s29], $0x2800  }
0xbf: {  	s13 =	sadd.s32 $0x1, s13;
	s18 =	rddreg [dreg:$0xb]  }
0xc0: {  	p0 =	sne.s32 s13, s18  }
.Ltmp1:
0xc1: {  	_ = 	snop;
	(pc) =	sbr.rel @p0 .LBB2_1-.Ltmp1, $3  }
0xc2: {  	_ =	sdelay $0x1  }
0xc3: {  	[sflag:s29] =	ssyncset.done $0x0  }
0xc4: {  	[sflag:s29] =	ssyncadd.s32 $0xFFFFD800  }
0xc5: {  	_ =	sfence.sel $0x180000  }
0xc6: {  	[bflag:$0x0] =	sbarrier.arrive $0xFFFF  }
0xc7: {  	_ =	strace $0x9000004D  }
0xc8: {  	s0 =	stileid.u32;
	[bflag:$0x2] =	sbarrier.arrive $0xFFFF  }
0xc9: {  	p0 =	sne.s32 s0, $0x0;
	s0 =	rddreg [dreg:$0x4]  }
0xca: {  	s0 =	sadd.s32 @!p0 $0x100000, s0  }
0xcb: {  	[sflag:s0] =	ssyncadd.tile.s32 @!p0 $0x1;
	_ =	shalt  }
.Lfunc_end2:
_tile_overlayer_lowered:
.L_overlay_start_2:
0xcc: {  	(tag) =	ssettag $0x2  }
0xcd: {  	s0 =	rddreg [dreg:$0x0];
	s2 =	stileid.u32  }
0xce: {  	s1 =	rddreg [dreg:$0x1];
	p0 =	sne.s32 s2, $0x0  }
0xcf: {  	s3 =	rddreg [dreg:$0x2];
	[bflag:$0x3] =	sbarrier.arrive $0xFFFF;
	s2 =	simm.s32 @!p0 $0x1C05  }
0xd0: {  	[timem:s3], [sflag:s2] =	dma.local @!p0 [hbm:s0], s1  }
0xd1: {  	s0 =	simm.s32 @!p0 $0x5  }
0xd2: {  	_ =	swait.ge @!p0 [sflag:s0], s1  }
0xd3: {  	s1 =	ssub.s32 @!p0 $0x0, s1;
	[sflag:s0] =	ssyncset.done @!p0 $0x0  }
0xd4: {  	[sflag:s0] =	ssyncadd.s32 @!p0 s1  }
0xd5: {  	[bflag:$0x3] =	sbarrier.arrive $0xFFFF  }
0xd6: {  	_ =	shalt  }

// kernel: kernel.9.cloned.1.call-start
scs
__scs_entry_jumppad:
0x0: {  	(pc) =	sbr.rel $0x88, $3  }
0x1: {  	(tag) =	ssettag $0x0;
	lr =	simm.s32 $0x1  }
0x2: {  	[smem:$0x3F90] =	sst lr;
	_ =	strace $0xD0000000  }
0x3: {  	_ = 	snop  }
0x4: {  	_ = 	snop  }
0x5: {  	_ = 	snop  }
0x6: {  	_ = 	snop  }
0x7: {  	_ = 	snop  }
__scs_overlays_trampoline_lowered:
0x8: {  	[smem:$0x3F9F] =	sst s0  }
0x9: {  	[smem:$0x3FA0] =	sst s1  }
0xa: {  	[smem:$0x3FA1] =	sst s2  }
0xb: {  	[smem:$0x3FA2] =	sst s3  }
0xc: {  	[smem:$0x3FA3] =	sst s4  }
0xd: {  	[smem:$0x3FA4] =	sst s5  }
0xe: {  	[smem:$0x3FA5] =	sst s6  }
0xf: {  	[smem:$0x3FA6] =	sst s7  }
0x10: {  	[smem:$0x3FA7] =	sst s8  }
0x11: {  	[smem:$0x3FA8] =	sst s9;
	s0 =	simm.s32 @!p0 $0x0  }
0x12: {  	s1 =	sld [smem:$0x3F8E];
	s0 =	simm.s32 @p0 $0x1  }
0x13: {  	[smem:$0x3FA9] =	sst s0;
	s0 =	simm.s32 @!p1 $0x0  }
0x14: {  	s2 =	sld [smem:$0x3F8D];
	s0 =	simm.s32 @p1 $0x1  }
0x15: {  	[smem:$0x3FAA] =	sst s0;
	s0 =	simm.s32 @!p2 $0x0  }
0x16: {  	s3 =	sld [smem:$0x3FDB];
	s0 =	simm.s32 @p2 $0x1  }
0x17: {  	s4 =	simm.s32 $0x1BF5;
	[smem:$0x3FAC] =	sst s0  }
0x18: {  	s0 =	sld [smem:$0x3F8F];
	_ =	swait.ge [sflag:s4], $0x0  }
0x19: {  	s7 =	sld [smem:$0x3F90]  }
0x1a: {  	s8 =	sadd.s32 $0xFFFFE003, lr  }
0x1b: {  	s9 =	sadd.s32 $0xFFFFFEF7, lr;
	s5 =	simm.s32 $0xFFFFFFFF;
	p2 =	slt.u32 s8, $0xFFFFF086  }
0x1c: {  	p1 =	slt.u32 s9, $0xF7A;
	s5 =	simm.s32 @!p2 $0x0  }
0x1d: {  	s5 =	simm.s32 @p1 $0x1;
	p0 =	seq.s32 s7, s2  }
0x1e: {  	s7 =	smul.u32 @!p0 $0xF7A, s2;
	p2 =	seq.s32 @!p0 s5, $0x0  }
0x1f: {  	s9 =	smul.u32 $0xF7A, s1;
	s8 =	simm.s32 @!p0 $0x1BF5;
	p2 =	por !p2, p0  }
0x20: {  	[sflag:s8] =	ssyncset.s32 @!p0 $0xFFFFF086;
	s6 =	sadd.s32 @!p0 s3, s7;
	s7 =	simm.s32 @!p0 $0x108  }
0x21: {  	s3 =	sadd.s32 s3, s9;
	s6 =	sadd.s32 @!p0 $0x88, s6;
	s7 =	simm.s32 @p2 $0x1082  }
0x22: {  	[simem:s7], [sflag:s8] =	dma.local @!p0 [hbm:s6], $0xF7A  }
0x23: {  	s9 =	sor.u32 $0xD0000000, s2;
	s6 =	simm.s32 $0x108;
	_ =	swait.ge @!p0 [sflag:s8], $0x0  }
0x24: {  	s3 =	sadd.s32 $0x88, s3;
	s6 =	simm.s32 @!p1 $0x1082;
	[sflag:s4] =	ssyncset.s32 $0xFFFFF086  }
0x25: {  	[simem:s6], [sflag:s4] =	dma.local [hbm:s3], $0xF7A  }
0x26: {  	[smem:$0x3F90] =	sst s1;
	(tag) =	ssettag s2;
	_ =	strace s9  }
0x27: {  	s1 =	sld [smem:$0x3FA0]  }
0x28: {  	s2 =	sld [smem:$0x3FA1]  }
0x29: {  	s4 =	sld [smem:$0x3FA3]  }
0x2a: {  	p0 =	seq.s32 s5, $0x0;
	s5 =	sld [smem:$0x3FA4]  }
0x2b: {  	s6 =	sld [smem:$0x3FA5]  }
0x2c: {  	s7 =	sld [smem:$0x3FA6]  }
0x2d: {  	s3 =	simm.s32 $0x108;
	s8 =	sld [smem:$0x3FA7]  }
0x2e: {  	s3 =	simm.s32 @!p0 $0x1082;
	s9 =	sld [smem:$0x3FA8]  }
0x2f: {  	lr =	sadd.s32 s0, s3;
	s0 =	sld [smem:$0x3F9F]  }
0x30: {  	s3 =	sld [smem:$0x3FA2]  }
0x31: {  	[smem:$0x3FAB] =	sst s10  }
0x32: {  	s10 =	sld [smem:$0x3FA9];
	_ =	sdelay $0x3  }
0x33: {  	p0 =	seq.s32 s10, $0x1;
	s10 =	sld [smem:$0x3FAB];
	_ =	sdelay $0x3  }
0x34: {  	[smem:$0x3FAB] =	sst s10  }
0x35: {  	s10 =	sld [smem:$0x3FAA];
	_ =	sdelay $0x3  }
0x36: {  	p1 =	seq.s32 s10, $0x1;
	s10 =	sld [smem:$0x3FAB];
	_ =	sdelay $0x3  }
0x37: {  	[smem:$0x3FAB] =	sst s10  }
0x38: {  	s10 =	sld [smem:$0x3FAC]  }
0x39: {  	_ = 	snop;
	(pc) =	sbr.ind lr, $3  }
0x3a: {  	_ = 	snop  }
0x3b: {  	_ = 	snop  }
0x3c: {  	p2 =	seq.s32 s10, $0x1;
	s10 =	sld [smem:$0x3FAB]  }
0x3d: {  	_ =	shalt  }
0x3e: {  	_ =	shalt  }
0x3f: {  	_ =	shalt  }
0x40: {  	_ =	shalt  }
0x41: {  	_ =	shalt  }
0x42: {  	_ =	shalt  }
0x43: {  	_ =	shalt  }
0x44: {  	_ =	shalt  }
0x45: {  	_ =	shalt  }
0x46: {  	_ =	shalt  }
0x47: {  	_ =	shalt  }
0x48: {  	_ =	shalt  }
0x49: {  	_ =	shalt  }
0x4a: {  	_ =	shalt  }
0x4b: {  	_ =	shalt  }
0x4c: {  	_ =	shalt  }
0x4d: {  	_ =	shalt  }
0x4e: {  	_ =	shalt  }
0x4f: {  	_ =	shalt  }
0x50: {  	_ =	shalt  }
0x51: {  	_ =	shalt  }
0x52: {  	_ =	shalt  }
0x53: {  	_ =	shalt  }
0x54: {  	_ =	shalt  }
0x55: {  	_ =	shalt  }
0x56: {  	_ =	shalt  }
0x57: {  	_ =	shalt  }
0x58: {  	_ =	shalt  }
0x59: {  	_ =	shalt  }
0x5a: {  	_ =	shalt  }
0x5b: {  	_ =	shalt  }
0x5c: {  	_ =	shalt  }
0x5d: {  	_ =	shalt  }
0x5e: {  	_ =	shalt  }
0x5f: {  	_ =	shalt  }
0x60: {  	_ =	shalt  }
0x61: {  	_ =	shalt  }
0x62: {  	_ =	shalt  }
0x63: {  	_ =	shalt  }
0x64: {  	_ =	shalt  }
0x65: {  	_ =	shalt  }
0x66: {  	_ =	shalt  }
0x67: {  	_ =	shalt  }
0x68: {  	_ =	shalt  }
0x69: {  	_ =	shalt  }
0x6a: {  	_ =	shalt  }
0x6b: {  	_ =	shalt  }
0x6c: {  	_ =	shalt  }
0x6d: {  	_ =	shalt  }
0x6e: {  	_ =	shalt  }
0x6f: {  	_ =	shalt  }
0x70: {  	_ =	shalt  }
0x71: {  	_ =	shalt  }
0x72: {  	_ =	shalt  }
0x73: {  	_ =	shalt  }
0x74: {  	_ =	shalt  }
0x75: {  	_ =	shalt  }
0x76: {  	_ =	shalt  }
0x77: {  	_ =	shalt  }
0x78: {  	_ =	shalt  }
0x79: {  	_ =	shalt  }
0x7a: {  	_ =	shalt  }
0x7b: {  	_ =	shalt  }
0x7c: {  	_ =	shalt  }
0x7d: {  	_ =	shalt  }
0x7e: {  	_ =	shalt  }
0x7f: {  	_ =	shalt  }
0x80: {  	_ =	shalt  }
0x81: {  	_ =	shalt  }
0x82: {  	_ =	shalt  }
0x83: {  	_ =	shalt  }
0x84: {  	_ =	shalt  }
0x85: {  	_ =	shalt  }
0x86: {  	_ =	shalt  }
0x87: {  	_ =	shalt  }
.Lfunc_end0:
.L_simem_size_0:
called_computation_lowered:
.L_overlay_start_0:
0x88: {  	s2 =	sld [smem:$0x3FD9]  }
0x89: {  	s3 =	sld [smem:$0x3FFE];
	_ =	sdelay $0x1  }
0x8a: {  	s1 =	srdreg.scid  }
0x8b: {  	s0 =	sand.u32 $0x1, s1  }
0x8c: {  	s14 =	sshll.u32 s0, $0xA;
	s2 =	sadd.s32 s3, s2  }
0x8d: {  	s2 =	sadd.s32 s2, s14  }
0x8e: {  	[smem:$0x3FB7] =	sst s2  }
0x8f: {  	_ = 	snop  }
0x90: {  	s2 =	sld [smem:$0x3FD0];
	_ =	sdelay $0x2  }
0x91: {  	s15 =	simm.s32 $0xA;
	s4 =	simm.s32 $0x10  }
0x92: {  	[smem:s4], [sflag:s15] =	dma.local [hbm:s2], $0x1  }
0x93: {  	_ =	swait.eq [sflag:s15], $0x1  }
0x94: {  	[sflag:s15] =	ssyncset.done $0x0  }
0x95: {  	s16 =	sld [smem:$0x11];
	[sflag:s15] =	ssyncadd.s32 $0xFFFFFFFF  }
0x96: {  	s17 =	sld [smem:$0x12];
	(tm) =	ssettm $0x1  }
0x97: {  	s18 =	sld [smem:$0x3FFB];
	_ =	sdelay $0x3  }
0x98: {  	_ =	strace s18  }
0x99: {  	s4 =	sld [smem:$0x3FFC];
	_ =	sdelay $0x3  }
0x9a: {  	_ =	strace s4  }
0x9b: {  	s4 =	sld [smem:$0x3FFD];
	_ =	sdelay $0x3  }
0x9c: {  	_ =	strace s4  }
0x9d: {  	_ =	strace $0x8FFFFFFF  }
0x9e: {  	s19 =	sld [smem:$0x3FDB];
	_ =	sdelay $0x1  }
0x9f: {  	s5 =	simm.s32 $_scs_section_size  }
0xa0: {  	s6 =	simm.s32 $_size__tile_overlayer_lowered;
	s7 =	simm.s32 $_tile_overlayer_lowered  }
0xa1: {  	s22 =	simm.s32 $0x1BFF;
	s21 =	sshll.u32 s7, $0x1;
	s4 =	sadd.s32 s5, s19  }
0xa2: {  	s8 =	simm.s32 $0x0;
	s20 =	sshll.u32 s6, $0x1;
	s6 =	sadd.s32 s21, s4  }
0xa3: {  	[timem:s8], [sflag:s22] =	dma.local [hbm:s6], s20  }
0xa4: {  	_ =	swait.ge [sflag:s22], s20  }
0xa5: {  	s5 =	ssub.s32 $0x0, s20;
	[sflag:s22] =	ssyncset.done $0x0  }
0xa6: {  	[sflag:s22] =	ssyncadd.s32 s5;
	_ =	sdelay $0x1  }
0xa7: {  	s23 =	simm.s32 $0x1B8B  }
0xa8: {  	_ =	swait.ge [sflag:s23], $0x1  }
0xa9: {  	[sflag:s23] =	ssyncset.done $0x0  }
0xaa: {  	s25 =	simm.s32 $0x1B8E;
	s24 =	sld [smem:$0x3FFE];
	[sflag:s23] =	ssyncadd.s32 $0xFFFFFFFF  }
0xab: {  	s26 =	simm.s32 $execute0_lowered;
	[smem:$0x3FD2] =	sst s25  }
0xac: {  	s6 =	sshll.u32 s26, $0x1;
	_ =	strace $0x80000046;
	[dreg:$0x1] =	wrdreg $0xFFFFFFFF  }
0xad: {  	s28 =	simm.s32 $_size_execute0_lowered;
	s4 =	sadd.s32 s4, s6;
	[dreg:$0x0] =	wrdreg $0x0  }
0xae: {  	s6 =	sshll.u32 s28, $0x1;
	[dreg:$0x2] =	wrdreg s4  }
0xaf: {  	[dreg:$0x3] =	wrdreg s6  }
0xb0: {  	[dreg:$0x4] =	wrdreg $0xC0  }
0xb1: {  	_ =	task [dreg:s8], $0x5FFFF  }
0xb2: {  	[dreg:$0x1] =	wrdreg $0xFFFFFFFF  }
0xb3: {  	[dreg:$0x0] =	wrdreg $0x60  }
0xb4: {  	[dreg:$0x2] =	wrdreg s24  }
0xb5: {  	[dreg:$0x3] =	wrdreg s17  }
0xb6: {  	[dreg:$0x4] =	wrdreg s16  }
0xb7: {  	[dreg:$0x5] =	wrdreg $0x51000  }
0xb8: {  	[dreg:$0x6] =	wrdreg $0x9  }
0xb9: {  	_ =	task.clear_ibuf [dreg:s8], $0x7FFFF;
	_ =	strace $0x90000046  }
0xba: {  	s29 =	simm.s32 $0x9;
	_ =	strace $0x80000048  }
0xbb: {  	_ =	swait.ge [sflag:s29], $0x1  }
0xbc: {  	[sflag:s29] =	ssyncadd.s32 $0xFFFFFFFF  }
0xbd: {  	_ =	strace $0x90000048  }
0xbe: {  	_ =	sfence  }
0xbf: {  	s30 =	sld [smem:$0x0];
	_ =	sdelay $0x2  }
0xc0: {  	s31 =	sshll.u32 s1, $0xD;
	s1 =	sshrl.u32 s1, $0x2  }
0xc1: {  	s3 =	sand.u32 $0x4000, s31;
	s1 =	sadd.s32 s1, s30  }
0xc2: {  	s0 =	sor.u32 s3, s0;
	s1 =	sshll.u32 s1, $0x11  }
0xc3: {  	s0 =	sor.u32 s1, s0  }
0xc4: {  	s0 =	sadd.s32 $0x8F2B, s0  }
0xc5: {  	[sflag:s0] =	ssyncadd.remote.s32 $0x1  }
0xc6: {  	_ =	sfence.sel $0xFFFF  }
0xc7: {  	[dreg:$0x0] =	wrdreg $0xFFFFFFFF;
	(pc) =	sbr.abs _section_cstart, $3  }
0xc8: {  	[dreg:$0x1] =	wrdreg $0xFFFFFFFF  }
0xc9: {  	_ =	task.clear_ibuf [dreg:s8], $0x2FFFF;
	_ =	strace $0x9FFFFFFF  }
0xca: {  	(tm) =	ssettm $0x7FFFFFFF  }
0xcb: {  	_ =	shalt  }
tec
execute0_lowered:
.L_overlay_start_1:
0x0: {  	(tag) =	ssettag $0x1  }
0x1: {  	s0 =	rddreg [dreg:$0x0]  }
0x2: {  	s1 =	rddreg [dreg:$0x1]  }
0x3: {  	s3 =	rddreg [dreg:$0x3];
	s5 =	simm.s32 $0x0;
	s2 =	srdreg.scid  }
0x4: {  	s11 =	stileid.u32;
	s28 =	simm.s32 $0x80;
	s29 =	simm.s32 $0x1  }
0x5: {  	s30 =	simm.s32 $0x50;
	s31 =	simm.s32 $0x2;
	s7 =	smul.u32 $0x14000, s11  }
0x6: {  	[smem:$0x7FF] =	sst s5;
	s2 =	sand.u32 $0x1, s2;
	s10 =	smul.u32 $0x50000, s11  }
0x7: {  	s6 =	sadd.s32 $0x3200, s0;
	s9 =	sadd.s32 $0xD000, s0;
	s25 =	smul.u32 $0x2710, s11  }
0x8: {  	s4 =	smul.u32 $0x280000, s2;
	_ =	strace $0x80000047;
	s8 =	sshll.u32 s2, $0x4  }
0x9: {  	[dreg:$0x5] =	wrdreg s9;
	s19 =	ssub.s32 $0x2, s2;
	s2 =	smul.u32 $0x27100, s2  }
0xa: {  	s8 =	sor.u32 s11, s8;
	s20 =	sshrl.u32 s19, $0x1;
	s23 =	sshrl.u32 s10, $0x2  }
0xb: {  	s4 =	sadd.s32 s7, s4;
	s8 =	smul.u32 $0x2710, s8;
	s21 =	ssub.s32 s19, s20  }
0xc: {  	s10 =	sadd.s32 s23, s3;
	s26 =	sadd.s32 s25, s2;
	s25 =	simm.s32 $0x3  }
0xd: {  	s4 =	sshrl.u32 s4, $0x3;
	s13 =	smax.u32 s21, $0x1;
	s14 =	sadd.s32 $0x2800, s10  }
0xe: {  	s15 =	sadd.s32 $0x5000, s10;
	s16 =	sadd.s32 $0x7800, s10;
	s17 =	sadd.s32 $0xA000, s10  }
0xf: {  	s2 =	sadd.s32 $0x50, s26;
	s18 =	sadd.s32 $0xC800, s10;
	s19 =	sadd.s32 $0xF000, s10  }
0x10: {  	s20 =	sadd.s32 $0x11800, s10;
	s21 =	sadd.s32 $0xA0, s26;
	s22 =	sshrl.u32 s8, $0x3  }
0x11: {  	s26 =	simm.s32 $0x100;
	s0 =	sadd.s32 s4, s0;
	s8 =	sadd.s32 s6, s22  }
0x12: {  	s2 =	sshrl.u32 s2, $0x3;
	s24 =	sadd.s32 $0xD600, s0;
	[dreg:$0x6] =	wrdreg s8  }
0x13: {  	s7 =	sadd.s32 s1, s22;
	s0 =	sadd.s32 $0x35600, s0;
	[dreg:$0x7] =	wrdreg s24  }
0x14: {  	s22 =	sadd.s32 s2, s6;
	s23 =	sadd.s32 s2, s1;
	[dreg:$0x8] =	wrdreg s7  }
0x15: {  	[dreg:$0x9] =	wrdreg s0;
	s24 =	simm.s32 $0x2900;
	s0 =	simm.s32 $0x0  }
.LBB2_1:
0x16: {  	s2 =	rddreg [dreg:$0x5]  }
0x17: {  	[tilespmem:s24], [sflag:$0x3] =	stream.linear.gather [hbm4b:s2+s5], $0x2800, $0x38;
	[tilespmem:$0x19100] =	vst v63  }
0x18: {  	_ =	swait.ge [sflag:s25], $0x2800  }
0x19: {  	[sflag:s25] =	ssyncset.done $0x0  }
0x1a: {  	[sflag:s25] =	ssyncadd.s32 $0xFFFFD800  }
0x1b: {  	s9 =	rddreg [dreg:$0x2]  }
0x1c: {  	[tilespmem:s26], [sflag:$0x3] =	stream.linear.gather [hbm4b:s9+s5], $0x2800, $0x38;
	[tilespmem:$0x19100] =	vst v63  }
0x1d: {  	_ =	swait.ge [sflag:s25], $0x2800  }
0x1e: {  	[sflag:s25] =	ssyncset.done $0x0  }
0x1f: {  	[sflag:s25] =	ssyncadd.s32 $0xFFFFD800  }
0x20: {  	[spmem:s10] =	stream.linear.scatter [tilespmem:s24], [sflag:$0x3], $0x2800, $0x38;
	[tilespmem:$0x19100] =	vst v63  }
0x21: {  	_ =	swait.ge [sflag:s25], $0x2800  }
0x22: {  	[sflag:s25] =	ssyncset.done $0x0  }
0x23: {  	[sflag:s25] =	ssyncadd.s32 $0xFFFFD800  }
0x24: {  	[spmem:s14] =	stream.linear.scatter [tilespmem:s24], [sflag:$0x3], $0x2800, $0x38;
	[tilespmem:$0x19100] =	vst v63  }
0x25: {  	_ =	swait.ge [sflag:s25], $0x2800  }
0x26: {  	[sflag:s25] =	ssyncset.done $0x0  }
0x27: {  	[sflag:s25] =	ssyncadd.s32 $0xFFFFD800  }
0x28: {  	[spmem:s15] =	stream.linear.scatter [tilespmem:s24], [sflag:$0x3], $0x2800, $0x38;
	[tilespmem:$0x19100] =	vst v63  }
0x29: {  	_ =	swait.ge [sflag:s25], $0x2800  }
0x2a: {  	[sflag:s25] =	ssyncset.done $0x0  }
0x2b: {  	[sflag:s25] =	ssyncadd.s32 $0xFFFFD800  }
0x2c: {  	[spmem:s16] =	stream.linear.scatter [tilespmem:s24], [sflag:$0x3], $0x2800, $0x38;
	[tilespmem:$0x19100] =	vst v63  }
0x2d: {  	_ =	swait.ge [sflag:s25], $0x2800  }
0x2e: {  	[sflag:s25] =	ssyncset.done $0x0  }
0x2f: {  	[sflag:s25] =	ssyncadd.s32 $0xFFFFD800  }
0x30: {  	[spmem:s17] =	stream.linear.scatter [tilespmem:s24], [sflag:$0x3], $0x2800, $0x38;
	[tilespmem:$0x19100] =	vst v63  }
0x31: {  	_ =	swait.ge [sflag:s25], $0x2800  }
0x32: {  	[sflag:s25] =	ssyncset.done $0x0  }
0x33: {  	[sflag:s25] =	ssyncadd.s32 $0xFFFFD800  }
0x34: {  	[spmem:s18] =	stream.linear.scatter [tilespmem:s24], [sflag:$0x3], $0x2800, $0x38;
	[tilespmem:$0x19100] =	vst v63  }
0x35: {  	_ =	swait.ge [sflag:s25], $0x2800  }
0x36: {  	[sflag:s25] =	ssyncset.done $0x0  }
0x37: {  	[sflag:s25] =	ssyncadd.s32 $0xFFFFD800  }
0x38: {  	[spmem:s19] =	stream.linear.scatter [tilespmem:s24], [sflag:$0x3], $0x2800, $0x38;
	[tilespmem:$0x19100] =	vst v63  }
0x39: {  	_ =	swait.ge [sflag:s25], $0x2800  }
0x3a: {  	[sflag:s25] =	ssyncset.done $0x0  }
0x3b: {  	[sflag:s25] =	ssyncadd.s32 $0xFFFFD800  }
0x3c: {  	[spmem:s20] =	stream.linear.scatter [tilespmem:s24], [sflag:$0x3], $0x2800, $0x38;
	[tilespmem:$0x19100] =	vst v63  }
0x3d: {  	_ =	swait.ge [sflag:s25], $0x2800  }
0x3e: {  	[sflag:s25] =	ssyncset.done $0x0  }
0x3f: {  	[sflag:s25] =	ssyncadd.s32 $0xFFFFD800  }
0x40: {  	[bflag:$0x0] =	sbarrier.arrive $0xFFFF  }
0x41: {  	s11 =	rddreg [dreg:$0x6]  }
0x42: {  	[tilespmem:s5], [sflag:$0x1] =	stream.linear.gather [hbm4b:s11+s5], $0x50, $0x38;
	[tilespmem:$0x19100] =	vst v63  }
0x43: {  	s12 =	sadd.s32 $0x0, s22  }
0x44: {  	[tilespmem:s28], [sflag:$0x2] =	stream.linear.gather [hbm4b:s12+s5], $0x50, $0x38;
	[tilespmem:$0x19100] =	vst v63  }
0x45: {  	_ =	swait.ge [sflag:s29], $0x50  }
0x46: {  	[sflag:s29] =	ssyncset.done $0x0  }
0x47: {  	[sflag:s29] =	ssyncadd.s32 $0xFFFFFFB0  }
0x48: {  	[spmem:s3] =	stream.indirect.scatter.add.f32 [tilespmem:s26], [sflag:$0x3], $0x80, s5, s30, $0xb8;
	[tilespmem:$0x19100] =	vst v63  }
0x49: {  	_ =	swait.ge [sflag:s25], $0x2800  }
0x4a: {  	s2 =	sshrl.u32 s21, $0x3;
	[sflag:s25] =	ssyncset.done $0x0  }
0x4b: {  	s4 =	sadd.s32 s6, s2;
	[sflag:s25] =	ssyncadd.s32 $0xFFFFD800  }
0x4c: {  	[tilespmem:s5], [sflag:$0x1] =	stream.linear.gather [hbm4b:s4+s5], $0x50, $0x38;
	[tilespmem:$0x19100] =	vst v63  }
0x4d: {  	_ =	swait.ge [sflag:s31], $0x50  }
0x4e: {  	[sflag:s31] =	ssyncset.done $0x0  }
0x4f: {  	[sflag:s31] =	ssyncadd.s32 $0xFFFFFFB0  }
0x50: {  	[spmem:s3] =	stream.indirect.scatter.add.f32 [tilespmem:s26], [sflag:$0x3], $0x80, s28, s30, $0xb8;
	[tilespmem:$0x19100] =	vst v63  }
0x51: {  	s7 =	simm.s32 $0x14;
	_ =	swait.ge [sflag:s25], $0x2800  }
0x52: {  	s8 =	simm.s32 $0x28;
	s4 =	sadd.s32 $0xA0, s21;
	[sflag:s25] =	ssyncset.done $0x0  }
.LBB2_2:
0x53: {  	s9 =	sadd.s32 s7, s22  }
0x54: {  	[sflag:s25] =	ssyncadd.s32 $0xFFFFD800;
	s7 =	smov.u32 s8;
	s11 =	sadd.s32 $0x14, s8  }
0x55: {  	[tilespmem:s28], [sflag:$0x2] =	stream.linear.gather [hbm4b:s9+s5], $0x50, $0x38;
	[tilespmem:$0x19100] =	vst v63  }
0x56: {  	p0 =	sne.s32 s8, $0x4C4;
	_ =	swait.ge [sflag:s29], $0x50  }
0x57: {  	[sflag:s29] =	ssyncset.done $0x0  }
0x58: {  	[sflag:s29] =	ssyncadd.s32 $0xFFFFFFB0  }
0x59: {  	[spmem:s3] =	stream.indirect.scatter.add.f32 [tilespmem:s26], [sflag:$0x3], $0x80, s5, s30, $0xb8;
	[tilespmem:$0x19100] =	vst v63  }
0x5a: {  	_ =	swait.ge [sflag:s25], $0x2800  }
0x5b: {  	s8 =	sshrl.u32 s4, $0x3;
	[sflag:s25] =	ssyncset.done $0x0  }
0x5c: {  	s8 =	sadd.s32 s6, s8;
	[sflag:s25] =	ssyncadd.s32 $0xFFFFD800  }
0x5d: {  	[tilespmem:s5], [sflag:$0x1] =	stream.linear.gather [hbm4b:s8+s5], $0x50, $0x38;
	[tilespmem:$0x19100] =	vst v63  }
0x5e: {  	_ =	swait.ge [sflag:s31], $0x50  }
.Ltmp0:
0x5f: {  	[sflag:s31] =	ssyncset.done $0x0;
	(pc) =	sbr.rel @p0 .LBB2_2-.Ltmp0, $4  }
0x60: {  	[sflag:s31] =	ssyncadd.s32 $0xFFFFFFB0  }
0x61: {  	[spmem:s3] =	stream.indirect.scatter.add.f32 [tilespmem:s26], [sflag:$0x3], $0x80, s28, s30, $0xb8;
	[tilespmem:$0x19100] =	vst v63  }
0x62: {  	_ =	swait.ge [sflag:s25], $0x2800  }
0x63: {  	s4 =	sadd.s32 $0xA0, s4;
	s8 =	smov.u32 s11;
	[sflag:s25] =	ssyncset.done $0x0  }
0x64: {  	s7 =	sadd.s32 s7, s22;
	[sflag:s25] =	ssyncadd.s32 $0xFFFFD800  }
0x65: {  	[tilespmem:s28], [sflag:$0x2] =	stream.linear.gather [hbm4b:s7+s5], $0x50, $0x38;
	[tilespmem:$0x19100] =	vst v63  }
0x66: {  	_ =	swait.ge [sflag:s29], $0x50  }
0x67: {  	[sflag:s29] =	ssyncset.done $0x0  }
0x68: {  	[sflag:s29] =	ssyncadd.s32 $0xFFFFFFB0  }
0x69: {  	[spmem:s3] =	stream.indirect.scatter.add.f32 [tilespmem:s26], [sflag:$0x3], $0x80, s5, s30, $0xb8;
	[tilespmem:$0x19100] =	vst v63  }
0x6a: {  	_ =	swait.ge [sflag:s25], $0x2800  }
0x6b: {  	s4 =	sshrl.u32 s4, $0x3;
	[sflag:s25] =	ssyncset.done $0x0  }
0x6c: {  	s4 =	sadd.s32 s6, s4;
	[sflag:s25] =	ssyncadd.s32 $0xFFFFD800  }
0x6d: {  	[tilespmem:s5], [sflag:$0x1] =	stream.linear.gather [hbm4b:s4+s5], $0x50, $0x38;
	[tilespmem:$0x19100] =	vst v63  }
0x6e: {  	_ =	swait.ge [sflag:s31], $0x50  }
0x6f: {  	[sflag:s31] =	ssyncset.done $0x0  }
0x70: {  	[sflag:s31] =	ssyncadd.s32 $0xFFFFFFB0  }
0x71: {  	[spmem:s3] =	stream.indirect.scatter.add.f32 [tilespmem:s26], [sflag:$0x3], $0x80, s28, s30, $0xb8;
	[tilespmem:$0x19100] =	vst v63  }
0x72: {  	_ =	swait.ge [sflag:s25], $0x2800  }
0x73: {  	[sflag:s25] =	ssyncset.done $0x0  }
0x74: {  	[sflag:s25] =	ssyncadd.s32 $0xFFFFD800  }
0x75: {  	_ =	swait.ge [sflag:s29], $0x50  }
0x76: {  	[sflag:s29] =	ssyncset.done $0x0  }
0x77: {  	s8 =	simm.s32 $0x0;
	[sflag:s29] =	ssyncadd.s32 $0xFFFFFFB0  }
0x78: {  	[spmem:s3] =	stream.indirect.scatter.add.f32 [tilespmem:s26], [sflag:$0x3], $0x80, s8, s30, $0xb8;
	[tilespmem:$0x19100] =	vst v63  }
0x79: {  	_ =	swait.ge [sflag:s25], $0x2800  }
0x7a: {  	[sflag:s25] =	ssyncset.done $0x0  }
0x7b: {  	s9 =	stileid.u32;
	[sflag:s25] =	ssyncadd.s32 $0xFFFFD800  }
0x7c: {  	s4 =	sshll.u32 s9, $0x6;
	[bflag:$0x0] =	sbarrier.arrive $0xFFFF  }
0x7d: {  	s7 =	sshrl.u32 s10, $0x3;
	s4 =	sor.u32 $0x1C03, s4;
	s9 =	rddreg [dreg:$0x7]  }
0x7e: {  	[hbm:s9], [sflag:s4] =	dma.local [spmem:s7], $0x2800  }
0x7f: {  	_ =	swait.ge [sflag:s25], $0x2800  }
0x80: {  	[sflag:s25] =	ssyncset.done $0x0  }
0x81: {  	[sflag:s25] =	ssyncadd.s32 $0xFFFFD800  }
0x82: {  	[spmem:s10] =	stream.linear.scatter [tilespmem:s24], [sflag:$0x3], $0x2800, $0x38;
	[tilespmem:$0x19100] =	vst v63  }
0x83: {  	_ =	swait.ge [sflag:s25], $0x2800  }
0x84: {  	[sflag:s25] =	ssyncset.done $0x0  }
0x85: {  	[sflag:s25] =	ssyncadd.s32 $0xFFFFD800  }
0x86: {  	[spmem:s14] =	stream.linear.scatter [tilespmem:s24], [sflag:$0x3], $0x2800, $0x38;
	[tilespmem:$0x19100] =	vst v63  }
0x87: {  	_ =	swait.ge [sflag:s25], $0x2800  }
0x88: {  	[sflag:s25] =	ssyncset.done $0x0  }
0x89: {  	[sflag:s25] =	ssyncadd.s32 $0xFFFFD800  }
0x8a: {  	[spmem:s15] =	stream.linear.scatter [tilespmem:s24], [sflag:$0x3], $0x2800, $0x38;
	[tilespmem:$0x19100] =	vst v63  }
0x8b: {  	_ =	swait.ge [sflag:s25], $0x2800  }
0x8c: {  	[sflag:s25] =	ssyncset.done $0x0  }
0x8d: {  	[sflag:s25] =	ssyncadd.s32 $0xFFFFD800  }
0x8e: {  	[spmem:s16] =	stream.linear.scatter [tilespmem:s24], [sflag:$0x3], $0x2800, $0x38;
	[tilespmem:$0x19100] =	vst v63  }
0x8f: {  	_ =	swait.ge [sflag:s25], $0x2800  }
0x90: {  	[sflag:s25] =	ssyncset.done $0x0  }
0x91: {  	[sflag:s25] =	ssyncadd.s32 $0xFFFFD800  }
0x92: {  	[spmem:s17] =	stream.linear.scatter [tilespmem:s24], [sflag:$0x3], $0x2800, $0x38;
	[tilespmem:$0x19100] =	vst v63  }
0x93: {  	_ =	swait.ge [sflag:s25], $0x2800  }
0x94: {  	[sflag:s25] =	ssyncset.done $0x0  }
0x95: {  	[sflag:s25] =	ssyncadd.s32 $0xFFFFD800  }
0x96: {  	[spmem:s18] =	stream.linear.scatter [tilespmem:s24], [sflag:$0x3], $0x2800, $0x38;
	[tilespmem:$0x19100] =	vst v63  }
0x97: {  	_ =	swait.ge [sflag:s25], $0x2800  }
0x98: {  	[sflag:s25] =	ssyncset.done $0x0  }
0x99: {  	[sflag:s25] =	ssyncadd.s32 $0xFFFFD800  }
0x9a: {  	[spmem:s19] =	stream.linear.scatter [tilespmem:s24], [sflag:$0x3], $0x2800, $0x38;
	[tilespmem:$0x19100] =	vst v63  }
0x9b: {  	_ =	swait.ge [sflag:s25], $0x2800  }
0x9c: {  	[sflag:s25] =	ssyncset.done $0x0  }
0x9d: {  	[sflag:s25] =	ssyncadd.s32 $0xFFFFD800  }
0x9e: {  	[spmem:s20] =	stream.linear.scatter [tilespmem:s24], [sflag:$0x3], $0x2800, $0x38;
	[tilespmem:$0x19100] =	vst v63  }
0x9f: {  	_ =	swait.ge [sflag:s25], $0x2800  }
0xa0: {  	[sflag:s25] =	ssyncset.done $0x0  }
0xa1: {  	[sflag:s25] =	ssyncadd.s32 $0xFFFFD800  }
0xa2: {  	[bflag:$0x0] =	sbarrier.arrive $0xFFFF  }
0xa3: {  	s11 =	rddreg [dreg:$0x8]  }
0xa4: {  	[tilespmem:s8], [sflag:$0x1] =	stream.linear.gather [hbm4b:s11+s8], $0x50, $0x38;
	[tilespmem:$0x19100] =	vst v63  }
0xa5: {  	s12 =	sadd.s32 $0x0, s23  }
0xa6: {  	[tilespmem:s28], [sflag:$0x2] =	stream.linear.gather [hbm4b:s12+s5], $0x50, $0x38;
	[tilespmem:$0x19100] =	vst v63  }
0xa7: {  	_ =	swait.ge [sflag:s29], $0x50  }
0xa8: {  	[sflag:s29] =	ssyncset.done $0x0  }
0xa9: {  	[sflag:s29] =	ssyncadd.s32 $0xFFFFFFB0  }
0xaa: {  	[spmem:s3] =	stream.indirect.scatter.add.f32 [tilespmem:s26], [sflag:$0x3], $0x80, s5, s30, $0xb8;
	[tilespmem:$0x19100] =	vst v63  }
0xab: {  	_ =	swait.ge [sflag:s25], $0x2800  }
0xac: {  	[sflag:s25] =	ssyncset.done $0x0  }
0xad: {  	s2 =	sadd.s32 s1, s2;
	[sflag:s25] =	ssyncadd.s32 $0xFFFFD800  }
0xae: {  	[tilespmem:s5], [sflag:$0x1] =	stream.linear.gather [hbm4b:s2+s5], $0x50, $0x38;
	[tilespmem:$0x19100] =	vst v63  }
0xaf: {  	_ =	swait.ge [sflag:s31], $0x50  }
0xb0: {  	[sflag:s31] =	ssyncset.done $0x0  }
0xb1: {  	[sflag:s31] =	ssyncadd.s32 $0xFFFFFFB0  }
0xb2: {  	[spmem:s3] =	stream.indirect.scatter.add.f32 [tilespmem:s26], [sflag:$0x3], $0x80, s28, s30, $0xb8;
	[tilespmem:$0x19100] =	vst v63  }
0xb3: {  	s9 =	simm.s32 $0x28;
	_ =	swait.ge [sflag:s25], $0x2800  }
0xb4: {  	s8 =	simm.s32 $0x14;
	s2 =	sadd.s32 $0xA0, s21;
	[sflag:s25] =	ssyncset.done $0x0  }
.LBB2_4:
0xb5: {  	s11 =	sadd.s32 s8, s23  }
0xb6: {  	[sflag:s25] =	ssyncadd.s32 $0xFFFFD800;
	s8 =	smov.u32 s9;
	s12 =	sadd.s32 $0x14, s9  }
0xb7: {  	[tilespmem:s28], [sflag:$0x2] =	stream.linear.gather [hbm4b:s11+s5], $0x50, $0x38;
	[tilespmem:$0x19100] =	vst v63  }
0xb8: {  	p0 =	sne.s32 s9, $0x4C4;
	_ =	swait.ge [sflag:s29], $0x50  }
0xb9: {  	[sflag:s29] =	ssyncset.done $0x0  }
0xba: {  	[sflag:s29] =	ssyncadd.s32 $0xFFFFFFB0  }
0xbb: {  	[spmem:s3] =	stream.indirect.scatter.add.f32 [tilespmem:s26], [sflag:$0x3], $0x80, s5, s30, $0xb8;
	[tilespmem:$0x19100] =	vst v63  }
0xbc: {  	_ =	swait.ge [sflag:s25], $0x2800  }
0xbd: {  	s9 =	sshrl.u32 s2, $0x3;
	[sflag:s25] =	ssyncset.done $0x0  }
0xbe: {  	s9 =	sadd.s32 s1, s9;
	[sflag:s25] =	ssyncadd.s32 $0xFFFFD800  }
0xbf: {  	[tilespmem:s5], [sflag:$0x1] =	stream.linear.gather [hbm4b:s9+s5], $0x50, $0x38;
	[tilespmem:$0x19100] =	vst v63  }
0xc0: {  	_ =	swait.ge [sflag:s31], $0x50  }
.Ltmp1:
0xc1: {  	[sflag:s31] =	ssyncset.done $0x0;
	(pc) =	sbr.rel @p0 .LBB2_4-.Ltmp1, $4  }
0xc2: {  	[sflag:s31] =	ssyncadd.s32 $0xFFFFFFB0  }
0xc3: {  	[spmem:s3] =	stream.indirect.scatter.add.f32 [tilespmem:s26], [sflag:$0x3], $0x80, s28, s30, $0xb8;
	[tilespmem:$0x19100] =	vst v63  }
0xc4: {  	_ =	swait.ge [sflag:s25], $0x2800  }
0xc5: {  	s2 =	sadd.s32 $0xA0, s2;
	s9 =	smov.u32 s12;
	[sflag:s25] =	ssyncset.done $0x0  }
0xc6: {  	s8 =	sadd.s32 s8, s23;
	[sflag:s25] =	ssyncadd.s32 $0xFFFFD800  }
0xc7: {  	[tilespmem:s28], [sflag:$0x2] =	stream.linear.gather [hbm4b:s8+s5], $0x50, $0x38;
	[tilespmem:$0x19100] =	vst v63  }
0xc8: {  	_ =	swait.ge [sflag:s29], $0x50  }
0xc9: {  	[sflag:s29] =	ssyncset.done $0x0  }
0xca: {  	[sflag:s29] =	ssyncadd.s32 $0xFFFFFFB0  }
0xcb: {  	[spmem:s3] =	stream.indirect.scatter.add.f32 [tilespmem:s26], [sflag:$0x3], $0x80, s5, s30, $0xb8;
	[tilespmem:$0x19100] =	vst v63  }
0xcc: {  	_ =	swait.ge [sflag:s25], $0x2800  }
0xcd: {  	s2 =	sshrl.u32 s2, $0x3;
	[sflag:s25] =	ssyncset.done $0x0  }
0xce: {  	s2 =	sadd.s32 s1, s2;
	[sflag:s25] =	ssyncadd.s32 $0xFFFFD800  }
0xcf: {  	[tilespmem:s5], [sflag:$0x1] =	stream.linear.gather [hbm4b:s2+s5], $0x50, $0x38;
	[tilespmem:$0x19100] =	vst v63  }
0xd0: {  	_ =	swait.ge [sflag:s31], $0x50  }
0xd1: {  	[sflag:s31] =	ssyncset.done $0x0  }
0xd2: {  	[sflag:s31] =	ssyncadd.s32 $0xFFFFFFB0  }
0xd3: {  	[spmem:s3] =	stream.indirect.scatter.add.f32 [tilespmem:s26], [sflag:$0x3], $0x80, s28, s30, $0xb8;
	[tilespmem:$0x19100] =	vst v63  }
0xd4: {  	_ =	swait.ge [sflag:s25], $0x2800  }
0xd5: {  	[sflag:s25] =	ssyncset.done $0x0  }
0xd6: {  	[sflag:s25] =	ssyncadd.s32 $0xFFFFD800  }
0xd7: {  	_ =	swait.ge [sflag:s29], $0x50  }
0xd8: {  	[sflag:s29] =	ssyncset.done $0x0  }
0xd9: {  	[sflag:s29] =	ssyncadd.s32 $0xFFFFFFB0  }
0xda: {  	[spmem:s3] =	stream.indirect.scatter.add.f32 [tilespmem:s26], [sflag:$0x3], $0x80, s5, s30, $0xb8;
	[tilespmem:$0x19100] =	vst v63  }
0xdb: {  	_ =	swait.ge [sflag:s25], $0x2800  }
0xdc: {  	[sflag:s25] =	ssyncset.done $0x0  }
0xdd: {  	s0 =	sadd.s32 $0x1, s0;
	[sflag:s25] =	ssyncadd.s32 $0xFFFFD800  }
0xde: {  	p0 =	sne.s32 s0, s13;
	[bflag:$0x0] =	sbarrier.arrive $0xFFFF  }
.Ltmp2:
0xdf: {  	s12 =	rddreg [dreg:$0x9];
	(pc) =	sbr.rel @p0 .LBB2_1-.Ltmp2, $4  }
0xe0: {  	[hbm:s12], [sflag:s4] =	dma.local [spmem:s7], $0x2800  }
0xe1: {  	_ =	swait.ge [sflag:s25], $0x2800  }
0xe2: {  	[sflag:s25] =	ssyncset.done $0x0  }
0xe3: {  	[sflag:s25] =	ssyncadd.s32 $0xFFFFD800  }
0xe4: {  	_ =	sfence.sel $0x180000  }
0xe5: {  	[bflag:$0x0] =	sbarrier.arrive $0xFFFF  }
0xe6: {  	_ =	strace $0x90000047  }
0xe7: {  	s0 =	stileid.u32;
	[bflag:$0x2] =	sbarrier.arrive $0xFFFF  }
0xe8: {  	p0 =	sne.s32 s0, $0x0;
	s0 =	rddreg [dreg:$0x4]  }
0xe9: {  	s0 =	sadd.s32 @!p0 $0x100000, s0  }
0xea: {  	[sflag:s0] =	ssyncadd.tile.s32 @!p0 $0x1;
	_ =	shalt  }
.Lfunc_end2:
_tile_overlayer_lowered:
.L_overlay_start_2:
0xeb: {  	(tag) =	ssettag $0x2  }
0xec: {  	s0 =	rddreg [dreg:$0x0];
	s2 =	stileid.u32  }
0xed: {  	s1 =	rddreg [dreg:$0x1];
	p0 =	sne.s32 s2, $0x0  }
0xee: {  	s3 =	rddreg [dreg:$0x2];
	[bflag:$0x3] =	sbarrier.arrive $0xFFFF;
	s2 =	simm.s32 @!p0 $0x1C03  }
0xef: {  	[timem:s3], [sflag:s2] =	dma.local @!p0 [hbm:s0], s1  }
0xf0: {  	s0 =	simm.s32 @!p0 $0x3  }
0xf1: {  	_ =	swait.ge @!p0 [sflag:s0], s1  }
0xf2: {  	s1 =	ssub.s32 @!p0 $0x0, s1;
	[sflag:s0] =	ssyncset.done @!p0 $0x0  }
0xf3: {  	[sflag:s0] =	ssyncadd.s32 @!p0 s1  }
0xf4: {  	[bflag:$0x3] =	sbarrier.arrive $0xFFFF  }
0xf5: {  	_ =	shalt  }

</sc_bundles>
